<compile_context>
chip_gen: v7x
topology: tpu7x:2x2x1
jax: 0.10.2.dev20260603
libtpu: 0.0.44.dev20260713+nightly
codegen_flags: <defaults>
</compile_context>

<pallas_src>
import jax
import jax.numpy as jnp
from jax import lax
from jax.experimental import pallas as pl
from jax.experimental.pallas import tpu as pltpu
from jax.experimental.pallas import tpu_sc as plsc

N_ROWS = 1000000
D = 32
B = 16384

_NC = 2
_NS = 16
_NW = _NC * _NS
_BPW = B // _NW
_CH = 2
_NB = 8
_NCH = _BPW // _CH


def _gather_body(
    wt_hbm, idx_hbm, out_hbm, idx_v, idx_sm,
    b0, b1, b2, b3, b4, b5, b6, b7, cols_v,
    s0, s1, s2, s3, s4, s5, s6, s7,
):
    wid = lax.axis_index("s") * _NC + lax.axis_index("c")
    base = wid * _BPW
    pltpu.sync_copy(idx_hbm.at[pl.ds(base, _BPW)], idx_v)

    bufs = [b0, b1, b2, b3, b4, b5, b6, b7]
    sems = [s0, s1, s2, s3, s4, s5, s6, s7]
    lanes = lax.iota(jnp.int32, 16)

    def stage(k):
        v = idx_v[pl.ds(k * 16, 16)]
        for j in range(16):
            idx_sm[k * 16 + j] = v[j]

    pl.loop(0, _BPW // 16)(stage)

    def fetch(ch, r):
        ch0 = ch * _CH
        for i in range(_CH):
            x = idx_sm[ch0 + i]
            c = (x >> 7) * 128
            pltpu.async_copy(wt_hbm.at[:, pl.ds(c, 128)], bufs[r].at[i], sems[r])

    def drain(r):
        pltpu.make_async_copy(
            wt_hbm.at[:, pl.ds(0, 128 * _CH)], bufs[r], sems[r]
        ).wait()

    def extract(ch, r):
        ch0 = ch * _CH
        blk = bufs[r]
        for i in range(_CH):
            x = idx_sm[ch0 + i]
            lvec = jnp.full((16,), x & 127, dtype=jnp.int32)
            ivec = jnp.full((16,), i, jnp.int32)
            ovec = jnp.full((16,), ch0 + i, jnp.int32)
            top = plsc.load_gather(blk, [ivec, lanes, lvec])
            bot = plsc.load_gather(blk, [ivec, lanes + 16, lvec])
            plsc.store_scatter(cols_v, [lanes, ovec], top)
            plsc.store_scatter(cols_v, [lanes + 16, ovec], bot)

    for k in range(_NB - 1):
        fetch(k, k)

    def chunk_group(ch):
        for j in range(_NB):
            k = ch + j
            r = j

            @pl.when(k + _NB - 1 < _NCH)
            def _():
                fetch(k + _NB - 1, (r + _NB - 1) % _NB)

            drain(r)
            extract(k, r)

    pl.loop(0, _NCH, step=_NB)(chunk_group)
    pltpu.sync_copy(cols_v, out_hbm.at[:, pl.ds(base, _BPW)])


def kernel(input, weight):
    idx = input.astype(jnp.int32)
    mesh = plsc.VectorSubcoreMesh(core_axis_name="c", subcore_axis_name="s")
    f = pl.kernel(
        _gather_body,
        mesh=mesh,
        out_type=jax.ShapeDtypeStruct((D, B), jnp.float32),
        scratch_types=[
            pltpu.VMEM((_BPW,), jnp.int32),
            pltpu.SMEM((_BPW,), jnp.int32),
            pltpu.VMEM((_CH, D, 128), jnp.float32),
            pltpu.VMEM((_CH, D, 128), jnp.float32),
            pltpu.VMEM((_CH, D, 128), jnp.float32),
            pltpu.VMEM((_CH, D, 128), jnp.float32),
            pltpu.VMEM((_CH, D, 128), jnp.float32),
            pltpu.VMEM((_CH, D, 128), jnp.float32),
            pltpu.VMEM((_CH, D, 128), jnp.float32),
            pltpu.VMEM((_CH, D, 128), jnp.float32),

            pltpu.VMEM((D, _BPW), jnp.float32),
            pltpu.SemaphoreType.DMA,
            pltpu.SemaphoreType.DMA,
            pltpu.SemaphoreType.DMA,
            pltpu.SemaphoreType.DMA,
            pltpu.SemaphoreType.DMA,
            pltpu.SemaphoreType.DMA,
            pltpu.SemaphoreType.DMA,
            pltpu.SemaphoreType.DMA,
        ],
        compiler_params=pltpu.CompilerParams(
            use_tc_tiling_on_sc=True, needs_layout_passes=False
        ),
    )
    return f(weight.T, idx).T

# --- scband reference (transcript-rebuilt; emitter-appended) ---
"""Pipeline reference for scband-embedding-13314398618186 (READ-ONLY COPY).

The authoritative reference and input builder live on the scoring server;
editing this copy changes nothing except your own understanding.
"""

import jax, jax.numpy as jnp
import numpy as np

N_EMBEDDINGS = 1000000
D_EMBEDDINGS = 32
BATCH = 16384

def setup_inputs(seed: int = 0) -> dict:
    key = jax.random.key(seed)
    k_idx, k_w = jax.random.split(key)
    input_idx = jax.random.randint(k_idx, (BATCH,), 0, N_EMBEDDINGS, dtype=jnp.int64) if jax.config.jax_enable_x64 else jax.random.randint(k_idx, (BATCH,), 0, N_EMBEDDINGS, dtype=jnp.int32)
    # Sharded embedding table materialized as one contiguous weight matrix
    weight = jax.random.normal(k_w, (N_EMBEDDINGS, D_EMBEDDINGS), dtype=jnp.float32)
    return {"input": input_idx, "weight": weight}

def reference(input, weight):
    # Original forward: shard_tensor.get(input, self.weight) gathers rows for
    # `input` into self.weight, then F.embedding(arange(len(input)), weight)
    # returns exactly those gathered rows in order. Net effect: table[input].
    gathered = jnp.take(weight, input, axis=0)
    return gathered

if __name__ == "__main__":
    import jax
    _d = setup_inputs()
    print(jax.jit(kernel)(*tuple(_d.values())))

</pallas_src>

<mosaic_0001>
#map = affine_map<(d0, d1) -> (0, 0)>
#map1 = affine_map<(d0, d1) -> (0)>
module attributes {stable_mosaic.version = 14 : i64} {
  func.func @_gather_body(%arg0: i32, %arg1: i32, %arg2: memref<32x1000000xf32, #tpu.memory_space<hbm>>, %arg3: memref<16384xi32, #tpu.memory_space<hbm>>, %arg4: memref<32x16384xf32, #tpu.memory_space<hbm>>, %arg5: memref<512xi32, #tpu.memory_space<vmem>>, %arg6: memref<512xi32, #tpu.memory_space<smem>>, %arg7: memref<2x32x128xf32, #tpu.memory_space<vmem>>, %arg8: memref<2x32x128xf32, #tpu.memory_space<vmem>>, %arg9: memref<2x32x128xf32, #tpu.memory_space<vmem>>, %arg10: memref<2x32x128xf32, #tpu.memory_space<vmem>>, %arg11: memref<2x32x128xf32, #tpu.memory_space<vmem>>, %arg12: memref<2x32x128xf32, #tpu.memory_space<vmem>>, %arg13: memref<2x32x128xf32, #tpu.memory_space<vmem>>, %arg14: memref<2x32x128xf32, #tpu.memory_space<vmem>>, %arg15: memref<32x512xf32, #tpu.memory_space<vmem>>, %arg16: memref<!tpu.dma_semaphore, #tpu.memory_space<semaphore_mem>>, %arg17: memref<!tpu.dma_semaphore, #tpu.memory_space<semaphore_mem>>, %arg18: memref<!tpu.dma_semaphore, #tpu.memory_space<semaphore_mem>>, %arg19: memref<!tpu.dma_semaphore, #tpu.memory_space<semaphore_mem>>, %arg20: memref<!tpu.dma_semaphore, #tpu.memory_space<semaphore_mem>>, %arg21: memref<!tpu.dma_semaphore, #tpu.memory_space<semaphore_mem>>, %arg22: memref<!tpu.dma_semaphore, #tpu.memory_space<semaphore_mem>>, %arg23: memref<!tpu.dma_semaphore, #tpu.memory_space<semaphore_mem>>) attributes {dimension_semantics = [#tpu.dimension_semantics<core_parallel>, #tpu.dimension_semantics<subcore_parallel>], iteration_bounds = array<i64: 2, 16>, scalar_prefetch = 0 : i64, scratch_operands = 19 : i64, tpu.core_type = #tpu.core_type<sc_vector_subcore>, window_params = [{transform_indices = #map}, {transform_indices = #map1}, {transform_indices = #map}]} {
    %mul3A = arith.constant 2 : i32
    %mul3A_0 = arith.muli %arg1, %mul3A : i32
    %add3A = arith.addi %mul3A_0, %arg0 : i32
    %mul3A_1 = arith.constant 512 : i32
    %mul3A_2 = arith.muli %add3A, %mul3A_1 : i32
    "tpu.region"() ({
      %run_scoped3A = tpu.sem_alloc : memref<!tpu.dma_semaphore, #tpu.memory_space<semaphore_mem>>
      %dma_start3A_289 = tpu.memref_slice %arg3[%mul3A_2] : memref<16384xi32, #tpu.memory_space<hbm>> -> memref<512xi32, #tpu.memory_space<hbm>>
      %dma_start3A_290 = tpu.memref_slice %arg3[%mul3A_2] : memref<16384xi32, #tpu.memory_space<hbm>> -> memref<512xi32, #tpu.memory_space<hbm>>
      tpu.enqueue_dma source(%dma_start3A_290 : memref<512xi32, #tpu.memory_space<hbm>>) target(%arg5 : memref<512xi32, #tpu.memory_space<vmem>>) target_semaphore(%run_scoped3A : memref<!tpu.dma_semaphore, #tpu.memory_space<semaphore_mem>>)
      %dma_wait3A = tpu.memref_slice %arg3[%mul3A_2] : memref<16384xi32, #tpu.memory_space<hbm>> -> memref<512xi32, #tpu.memory_space<hbm>>
      %dma_wait3A_291 = tpu.memref_slice %arg3[%mul3A_2] : memref<16384xi32, #tpu.memory_space<hbm>> -> memref<512xi32, #tpu.memory_space<hbm>>
      tpu.wait_dma2 semaphore(%run_scoped3A : memref<!tpu.dma_semaphore, #tpu.memory_space<semaphore_mem>>) src(%dma_wait3A_291 : memref<512xi32, #tpu.memory_space<hbm>>) dst(%arg5 : memref<512xi32, #tpu.memory_space<vmem>>)
      tpu.yield
    }) : () -> ()
    %iota3A = tpu.iota {dimensions = array<i32: 0>} : vector<16xi32>
    %scan3A = arith.constant 0 : i32
    %scan3A_3 = arith.constant 32 : i32
    %scan3A_4 = arith.addi %scan3A, %scan3A_3 : i32
    %scan3A_5 = arith.constant 1 : i32
    scf.for %scan3A_289 = %scan3A to %scan3A_4 step %scan3A_5  : i32 {
      %mul3A_290 = arith.constant 1 : i32
      %mul3A_291 = arith.muli %scan3A_289, %mul3A_290 : i32
      %add3A_292 = arith.constant 0 : i32
      %add3A_293 = arith.addi %add3A_292, %mul3A_291 : i32
      %mul3A_294 = arith.constant 16 : i32
      %mul3A_295 = arith.muli %add3A_293, %mul3A_294 : i32
      %get3A_296 = arith.index_cast %mul3A_295 : i32 to index
      %get3A_297 = tpu.vector_load %arg5[%get3A_296] {strides = array<i32>} : memref<512xi32, #tpu.memory_space<vmem>>, vector<16xi32>,
      %slice3A = vector.extract_strided_slice %get3A_297 {offsets = [0], sizes = [1], strides = [1]} : vector<16xi32> to vector<1xi32>
      %squeeze3A = vector.extract %slice3A[0] : i32 from vector<1xi32>
      %mul3A_298 = arith.constant 16 : i32
      %mul3A_299 = arith.muli %add3A_293, %mul3A_298 : i32
      %add3A_300 = arith.constant 0 : i32
      %add3A_301 = arith.addi %mul3A_299, %add3A_300 : i32
      %swap3A = arith.index_cast %add3A_301 : i32 to index
      %swap3A_302 = memref.load %arg6[%swap3A] : memref<512xi32, #tpu.memory_space<smem>>
      memref.store %squeeze3A, %arg6[%swap3A] : memref<512xi32, #tpu.memory_space<smem>>
      %slice3A_303 = vector.extract_strided_slice %get3A_297 {offsets = [1], sizes = [1], strides = [1]} : vector<16xi32> to vector<1xi32>
      %squeeze3A_304 = vector.extract %slice3A_303[0] : i32 from vector<1xi32>
      %mul3A_305 = arith.constant 16 : i32
      %mul3A_306 = arith.muli %add3A_293, %mul3A_305 : i32
      %add3A_307 = arith.constant 1 : i32
      %add3A_308 = arith.addi %mul3A_306, %add3A_307 : i32
      %swap3A_309 = arith.index_cast %add3A_308 : i32 to index
      %swap3A_310 = memref.load %arg6[%swap3A_309] : memref<512xi32, #tpu.memory_space<smem>>
      memref.store %squeeze3A_304, %arg6[%swap3A_309] : memref<512xi32, #tpu.memory_space<smem>>
      %slice3A_311 = vector.extract_strided_slice %get3A_297 {offsets = [2], sizes = [1], strides = [1]} : vector<16xi32> to vector<1xi32>
      %squeeze3A_312 = vector.extract %slice3A_311[0] : i32 from vector<1xi32>
      %mul3A_313 = arith.constant 16 : i32
      %mul3A_314 = arith.muli %add3A_293, %mul3A_313 : i32
      %add3A_315 = arith.constant 2 : i32
      %add3A_316 = arith.addi %mul3A_314, %add3A_315 : i32
      %swap3A_317 = arith.index_cast %add3A_316 : i32 to index
      %swap3A_318 = memref.load %arg6[%swap3A_317] : memref<512xi32, #tpu.memory_space<smem>>
      memref.store %squeeze3A_312, %arg6[%swap3A_317] : memref<512xi32, #tpu.memory_space<smem>>
      %slice3A_319 = vector.extract_strided_slice %get3A_297 {offsets = [3], sizes = [1], strides = [1]} : vector<16xi32> to vector<1xi32>
      %squeeze3A_320 = vector.extract %slice3A_319[0] : i32 from vector<1xi32>
      %mul3A_321 = arith.constant 16 : i32
      %mul3A_322 = arith.muli %add3A_293, %mul3A_321 : i32
      %add3A_323 = arith.constant 3 : i32
      %add3A_324 = arith.addi %mul3A_322, %add3A_323 : i32
      %swap3A_325 = arith.index_cast %add3A_324 : i32 to index
      %swap3A_326 = memref.load %arg6[%swap3A_325] : memref<512xi32, #tpu.memory_space<smem>>
      memref.store %squeeze3A_320, %arg6[%swap3A_325] : memref<512xi32, #tpu.memory_space<smem>>
      %slice3A_327 = vector.extract_strided_slice %get3A_297 {offsets = [4], sizes = [1], strides = [1]} : vector<16xi32> to vector<1xi32>
      %squeeze3A_328 = vector.extract %slice3A_327[0] : i32 from vector<1xi32>
      %mul3A_329 = arith.constant 16 : i32
      %mul3A_330 = arith.muli %add3A_293, %mul3A_329 : i32
      %add3A_331 = arith.constant 4 : i32
      %add3A_332 = arith.addi %mul3A_330, %add3A_331 : i32
      %swap3A_333 = arith.index_cast %add3A_332 : i32 to index
      %swap3A_334 = memref.load %arg6[%swap3A_333] : memref<512xi32, #tpu.memory_space<smem>>
      memref.store %squeeze3A_328, %arg6[%swap3A_333] : memref<512xi32, #tpu.memory_space<smem>>
      %slice3A_335 = vector.extract_strided_slice %get3A_297 {offsets = [5], sizes = [1], strides = [1]} : vector<16xi32> to vector<1xi32>
      %squeeze3A_336 = vector.extract %slice3A_335[0] : i32 from vector<1xi32>
      %mul3A_337 = arith.constant 16 : i32
      %mul3A_338 = arith.muli %add3A_293, %mul3A_337 : i32
      %add3A_339 = arith.constant 5 : i32
      %add3A_340 = arith.addi %mul3A_338, %add3A_339 : i32
      %swap3A_341 = arith.index_cast %add3A_340 : i32 to index
      %swap3A_342 = memref.load %arg6[%swap3A_341] : memref<512xi32, #tpu.memory_space<smem>>
      memref.store %squeeze3A_336, %arg6[%swap3A_341] : memref<512xi32, #tpu.memory_space<smem>>
      %slice3A_343 = vector.extract_strided_slice %get3A_297 {offsets = [6], sizes = [1], strides = [1]} : vector<16xi32> to vector<1xi32>
      %squeeze3A_344 = vector.extract %slice3A_343[0] : i32 from vector<1xi32>
      %mul3A_345 = arith.constant 16 : i32
      %mul3A_346 = arith.muli %add3A_293, %mul3A_345 : i32
      %add3A_347 = arith.constant 6 : i32
      %add3A_348 = arith.addi %mul3A_346, %add3A_347 : i32
      %swap3A_349 = arith.index_cast %add3A_348 : i32 to index
      %swap3A_350 = memref.load %arg6[%swap3A_349] : memref<512xi32, #tpu.memory_space<smem>>
      memref.store %squeeze3A_344, %arg6[%swap3A_349] : memref<512xi32, #tpu.memory_space<smem>>
      %slice3A_351 = vector.extract_strided_slice %get3A_297 {offsets = [7], sizes = [1], strides = [1]} : vector<16xi32> to vector<1xi32>
      %squeeze3A_352 = vector.extract %slice3A_351[0] : i32 from vector<1xi32>
      %mul3A_353 = arith.constant 16 : i32
      %mul3A_354 = arith.muli %add3A_293, %mul3A_353 : i32
      %add3A_355 = arith.constant 7 : i32
      %add3A_356 = arith.addi %mul3A_354, %add3A_355 : i32
      %swap3A_357 = arith.index_cast %add3A_356 : i32 to index
      %swap3A_358 = memref.load %arg6[%swap3A_357] : memref<512xi32, #tpu.memory_space<smem>>
      memref.store %squeeze3A_352, %arg6[%swap3A_357] : memref<512xi32, #tpu.memory_space<smem>>
      %slice3A_359 = vector.extract_strided_slice %get3A_297 {offsets = [8], sizes = [1], strides = [1]} : vector<16xi32> to vector<1xi32>
      %squeeze3A_360 = vector.extract %slice3A_359[0] : i32 from vector<1xi32>
      %mul3A_361 = arith.constant 16 : i32
      %mul3A_362 = arith.muli %add3A_293, %mul3A_361 : i32
      %add3A_363 = arith.constant 8 : i32
      %add3A_364 = arith.addi %mul3A_362, %add3A_363 : i32
      %swap3A_365 = arith.index_cast %add3A_364 : i32 to index
      %swap3A_366 = memref.load %arg6[%swap3A_365] : memref<512xi32, #tpu.memory_space<smem>>
      memref.store %squeeze3A_360, %arg6[%swap3A_365] : memref<512xi32, #tpu.memory_space<smem>>
      %slice3A_367 = vector.extract_strided_slice %get3A_297 {offsets = [9], sizes = [1], strides = [1]} : vector<16xi32> to vector<1xi32>
      %squeeze3A_368 = vector.extract %slice3A_367[0] : i32 from vector<1xi32>
      %mul3A_369 = arith.constant 16 : i32
      %mul3A_370 = arith.muli %add3A_293, %mul3A_369 : i32
      %add3A_371 = arith.constant 9 : i32
      %add3A_372 = arith.addi %mul3A_370, %add3A_371 : i32
      %swap3A_373 = arith.index_cast %add3A_372 : i32 to index
      %swap3A_374 = memref.load %arg6[%swap3A_373] : memref<512xi32, #tpu.memory_space<smem>>
      memref.store %squeeze3A_368, %arg6[%swap3A_373] : memref<512xi32, #tpu.memory_space<smem>>
      %slice3A_375 = vector.extract_strided_slice %get3A_297 {offsets = [10], sizes = [1], strides = [1]} : vector<16xi32> to vector<1xi32>
      %squeeze3A_376 = vector.extract %slice3A_375[0] : i32 from vector<1xi32>
      %mul3A_377 = arith.constant 16 : i32
      %mul3A_378 = arith.muli %add3A_293, %mul3A_377 : i32
      %add3A_379 = arith.constant 10 : i32
      %add3A_380 = arith.addi %mul3A_378, %add3A_379 : i32
      %swap3A_381 = arith.index_cast %add3A_380 : i32 to index
      %swap3A_382 = memref.load %arg6[%swap3A_381] : memref<512xi32, #tpu.memory_space<smem>>
      memref.store %squeeze3A_376, %arg6[%swap3A_381] : memref<512xi32, #tpu.memory_space<smem>>
      %slice3A_383 = vector.extract_strided_slice %get3A_297 {offsets = [11], sizes = [1], strides = [1]} : vector<16xi32> to vector<1xi32>
      %squeeze3A_384 = vector.extract %slice3A_383[0] : i32 from vector<1xi32>
      %mul3A_385 = arith.constant 16 : i32
      %mul3A_386 = arith.muli %add3A_293, %mul3A_385 : i32
      %add3A_387 = arith.constant 11 : i32
      %add3A_388 = arith.addi %mul3A_386, %add3A_387 : i32
      %swap3A_389 = arith.index_cast %add3A_388 : i32 to index
      %swap3A_390 = memref.load %arg6[%swap3A_389] : memref<512xi32, #tpu.memory_space<smem>>
      memref.store %squeeze3A_384, %arg6[%swap3A_389] : memref<512xi32, #tpu.memory_space<smem>>
      %slice3A_391 = vector.extract_strided_slice %get3A_297 {offsets = [12], sizes = [1], strides = [1]} : vector<16xi32> to vector<1xi32>
      %squeeze3A_392 = vector.extract %slice3A_391[0] : i32 from vector<1xi32>
      %mul3A_393 = arith.constant 16 : i32
      %mul3A_394 = arith.muli %add3A_293, %mul3A_393 : i32
      %add3A_395 = arith.constant 12 : i32
      %add3A_396 = arith.addi %mul3A_394, %add3A_395 : i32
      %swap3A_397 = arith.index_cast %add3A_396 : i32 to index
      %swap3A_398 = memref.load %arg6[%swap3A_397] : memref<512xi32, #tpu.memory_space<smem>>
      memref.store %squeeze3A_392, %arg6[%swap3A_397] : memref<512xi32, #tpu.memory_space<smem>>
      %slice3A_399 = vector.extract_strided_slice %get3A_297 {offsets = [13], sizes = [1], strides = [1]} : vector<16xi32> to vector<1xi32>
      %squeeze3A_400 = vector.extract %slice3A_399[0] : i32 from vector<1xi32>
      %mul3A_401 = arith.constant 16 : i32
      %mul3A_402 = arith.muli %add3A_293, %mul3A_401 : i32
      %add3A_403 = arith.constant 13 : i32
      %add3A_404 = arith.addi %mul3A_402, %add3A_403 : i32
      %swap3A_405 = arith.index_cast %add3A_404 : i32 to index
      %swap3A_406 = memref.load %arg6[%swap3A_405] : memref<512xi32, #tpu.memory_space<smem>>
      memref.store %squeeze3A_400, %arg6[%swap3A_405] : memref<512xi32, #tpu.memory_space<smem>>
      %slice3A_407 = vector.extract_strided_slice %get3A_297 {offsets = [14], sizes = [1], strides = [1]} : vector<16xi32> to vector<1xi32>
      %squeeze3A_408 = vector.extract %slice3A_407[0] : i32 from vector<1xi32>
      %mul3A_409 = arith.constant 16 : i32
      %mul3A_410 = arith.muli %add3A_293, %mul3A_409 : i32
      %add3A_411 = arith.constant 14 : i32
      %add3A_412 = arith.addi %mul3A_410, %add3A_411 : i32
      %swap3A_413 = arith.index_cast %add3A_412 : i32 to index
      %swap3A_414 = memref.load %arg6[%swap3A_413] : memref<512xi32, #tpu.memory_space<smem>>
      memref.store %squeeze3A_408, %arg6[%swap3A_413] : memref<512xi32, #tpu.memory_space<smem>>
      %slice3A_415 = vector.extract_strided_slice %get3A_297 {offsets = [15], sizes = [1], strides = [1]} : vector<16xi32> to vector<1xi32>
      %squeeze3A_416 = vector.extract %slice3A_415[0] : i32 from vector<1xi32>
      %mul3A_417 = arith.constant 16 : i32
      %mul3A_418 = arith.muli %add3A_293, %mul3A_417 : i32
      %add3A_419 = arith.constant 15 : i32
      %add3A_420 = arith.addi %mul3A_418, %add3A_419 : i32
      %swap3A_421 = arith.index_cast %add3A_420 : i32 to index
      %swap3A_422 = memref.load %arg6[%swap3A_421] : memref<512xi32, #tpu.memory_space<smem>>
      memref.store %squeeze3A_416, %arg6[%swap3A_421] : memref<512xi32, #tpu.memory_space<smem>>
    }
    %scan3A_6 = arith.constant 32 : i32
    %get3A = arith.constant 0 : i32
    %get3A_7 = arith.index_cast %get3A : i32 to index
    %get3A_8 = memref.load %arg6[%get3A_7] : memref<512xi32, #tpu.memory_space<smem>>
    %shift_right_arithmetic3A = arith.constant 7 : i32
    %shift_right_arithmetic3A_9 = arith.shrsi %get3A_8, %shift_right_arithmetic3A : i32
    %mul3A_10 = arith.constant 128 : i32
    %mul3A_11 = arith.muli %shift_right_arithmetic3A_9, %mul3A_10 : i32
    %dma_start3A = arith.constant 0 : i32
    %dma_start3A_12 = arith.constant 0 : i32
    %dma_start3A_13 = arith.constant 0 : i32
    %dma_start3A_14 = tpu.memref_slice %arg7[%dma_start3A, %dma_start3A_12, %dma_start3A_13] : memref<2x32x128xf32, #tpu.memory_space<vmem>> -> memref<1x32x128xf32, #tpu.memory_space<vmem>>
    %dma_start3A_15 = tpu.memref_squeeze %dma_start3A_14 : memref<1x32x128xf32, #tpu.memory_space<vmem>> -> memref<32x128xf32, #tpu.memory_space<vmem>>
    %dma_start3A_16 = arith.constant 0 : i32
    %dma_start3A_17 = tpu.memref_slice %arg2[%dma_start3A_16, %mul3A_11] : memref<32x1000000xf32, #tpu.memory_space<hbm>> -> memref<32x128xf32, #tpu.memory_space<hbm>>
    %dma_start3A_18 = arith.constant 0 : i32
    %dma_start3A_19 = arith.constant 0 : i32
    %dma_start3A_20 = tpu.memref_slice %arg7[%dma_start3A, %dma_start3A_18, %dma_start3A_19] : memref<2x32x128xf32, #tpu.memory_space<vmem>> -> memref<1x32x128xf32, #tpu.memory_space<vmem>>
    %dma_start3A_21 = tpu.memref_squeeze %dma_start3A_20 : memref<1x32x128xf32, #tpu.memory_space<vmem>> -> memref<32x128xf32, #tpu.memory_space<vmem>>
    %dma_start3A_22 = arith.constant 0 : i32
    %dma_start3A_23 = tpu.memref_slice %arg2[%dma_start3A_22, %mul3A_11] : memref<32x1000000xf32, #tpu.memory_space<hbm>> -> memref<32x128xf32, #tpu.memory_space<hbm>>
    tpu.enqueue_dma source(%dma_start3A_23 : memref<32x128xf32, #tpu.memory_space<hbm>>) target(%dma_start3A_21 : memref<32x128xf32, #tpu.memory_space<vmem>>) target_semaphore(%arg16 : memref<!tpu.dma_semaphore, #tpu.memory_space<semaphore_mem>>)
    %get3A_24 = arith.constant 1 : i32
    %get3A_25 = arith.index_cast %get3A_24 : i32 to index
    %get3A_26 = memref.load %arg6[%get3A_25] : memref<512xi32, #tpu.memory_space<smem>>
    %shift_right_arithmetic3A_27 = arith.constant 7 : i32
    %shift_right_arithmetic3A_28 = arith.shrsi %get3A_26, %shift_right_arithmetic3A_27 : i32
    %mul3A_29 = arith.constant 128 : i32
    %mul3A_30 = arith.muli %shift_right_arithmetic3A_28, %mul3A_29 : i32
    %dma_start3A_31 = arith.constant 1 : i32
    %dma_start3A_32 = arith.constant 0 : i32
    %dma_start3A_33 = arith.constant 0 : i32
    %dma_start3A_34 = tpu.memref_slice %arg7[%dma_start3A_31, %dma_start3A_32, %dma_start3A_33] : memref<2x32x128xf32, #tpu.memory_space<vmem>> -> memref<1x32x128xf32, #tpu.memory_space<vmem>>
    %dma_start3A_35 = tpu.memref_squeeze %dma_start3A_34 : memref<1x32x128xf32, #tpu.memory_space<vmem>> -> memref<32x128xf32, #tpu.memory_space<vmem>>
    %dma_start3A_36 = arith.constant 0 : i32
    %dma_start3A_37 = tpu.memref_slice %arg2[%dma_start3A_36, %mul3A_30] : memref<32x1000000xf32, #tpu.memory_space<hbm>> -> memref<32x128xf32, #tpu.memory_space<hbm>>
    %dma_start3A_38 = arith.constant 0 : i32
    %dma_start3A_39 = arith.constant 0 : i32
    %dma_start3A_40 = tpu.memref_slice %arg7[%dma_start3A_31, %dma_start3A_38, %dma_start3A_39] : memref<2x32x128xf32, #tpu.memory_space<vmem>> -> memref<1x32x128xf32, #tpu.memory_space<vmem>>
    %dma_start3A_41 = tpu.memref_squeeze %dma_start3A_40 : memref<1x32x128xf32, #tpu.memory_space<vmem>> -> memref<32x128xf32, #tpu.memory_space<vmem>>
    %dma_start3A_42 = arith.constant 0 : i32
    %dma_start3A_43 = tpu.memref_slice %arg2[%dma_start3A_42, %mul3A_30] : memref<32x1000000xf32, #tpu.memory_space<hbm>> -> memref<32x128xf32, #tpu.memory_space<hbm>>
    tpu.enqueue_dma source(%dma_start3A_43 : memref<32x128xf32, #tpu.memory_space<hbm>>) target(%dma_start3A_41 : memref<32x128xf32, #tpu.memory_space<vmem>>) target_semaphore(%arg16 : memref<!tpu.dma_semaphore, #tpu.memory_space<semaphore_mem>>)
    %get3A_44 = arith.constant 2 : i32
    %get3A_45 = arith.index_cast %get3A_44 : i32 to index
    %get3A_46 = memref.load %arg6[%get3A_45] : memref<512xi32, #tpu.memory_space<smem>>
    %shift_right_arithmetic3A_47 = arith.constant 7 : i32
    %shift_right_arithmetic3A_48 = arith.shrsi %get3A_46, %shift_right_arithmetic3A_47 : i32
    %mul3A_49 = arith.constant 128 : i32
    %mul3A_50 = arith.muli %shift_right_arithmetic3A_48, %mul3A_49 : i32
    %dma_start3A_51 = arith.constant 0 : i32
    %dma_start3A_52 = arith.constant 0 : i32
    %dma_start3A_53 = arith.constant 0 : i32
    %dma_start3A_54 = tpu.memref_slice %arg8[%dma_start3A_51, %dma_start3A_52, %dma_start3A_53] : memref<2x32x128xf32, #tpu.memory_space<vmem>> -> memref<1x32x128xf32, #tpu.memory_space<vmem>>
    %dma_start3A_55 = tpu.memref_squeeze %dma_start3A_54 : memref<1x32x128xf32, #tpu.memory_space<vmem>> -> memref<32x128xf32, #tpu.memory_space<vmem>>
    %dma_start3A_56 = arith.constant 0 : i32
    %dma_start3A_57 = tpu.memref_slice %arg2[%dma_start3A_56, %mul3A_50] : memref<32x1000000xf32, #tpu.memory_space<hbm>> -> memref<32x128xf32, #tpu.memory_space<hbm>>
    %dma_start3A_58 = arith.constant 0 : i32
    %dma_start3A_59 = arith.constant 0 : i32
    %dma_start3A_60 = tpu.memref_slice %arg8[%dma_start3A_51, %dma_start3A_58, %dma_start3A_59] : memref<2x32x128xf32, #tpu.memory_space<vmem>> -> memref<1x32x128xf32, #tpu.memory_space<vmem>>
    %dma_start3A_61 = tpu.memref_squeeze %dma_start3A_60 : memref<1x32x128xf32, #tpu.memory_space<vmem>> -> memref<32x128xf32, #tpu.memory_space<vmem>>
    %dma_start3A_62 = arith.constant 0 : i32
    %dma_start3A_63 = tpu.memref_slice %arg2[%dma_start3A_62, %mul3A_50] : memref<32x1000000xf32, #tpu.memory_space<hbm>> -> memref<32x128xf32, #tpu.memory_space<hbm>>
    tpu.enqueue_dma source(%dma_start3A_63 : memref<32x128xf32, #tpu.memory_space<hbm>>) target(%dma_start3A_61 : memref<32x128xf32, #tpu.memory_space<vmem>>) target_semaphore(%arg17 : memref<!tpu.dma_semaphore, #tpu.memory_space<semaphore_mem>>)
    %get3A_64 = arith.constant 3 : i32
    %get3A_65 = arith.index_cast %get3A_64 : i32 to index
    %get3A_66 = memref.load %arg6[%get3A_65] : memref<512xi32, #tpu.memory_space<smem>>
    %shift_right_arithmetic3A_67 = arith.constant 7 : i32
    %shift_right_arithmetic3A_68 = arith.shrsi %get3A_66, %shift_right_arithmetic3A_67 : i32
    %mul3A_69 = arith.constant 128 : i32
    %mul3A_70 = arith.muli %shift_right_arithmetic3A_68, %mul3A_69 : i32
    %dma_start3A_71 = arith.constant 1 : i32
    %dma_start3A_72 = arith.constant 0 : i32
    %dma_start3A_73 = arith.constant 0 : i32
    %dma_start3A_74 = tpu.memref_slice %arg8[%dma_start3A_71, %dma_start3A_72, %dma_start3A_73] : memref<2x32x128xf32, #tpu.memory_space<vmem>> -> memref<1x32x128xf32, #tpu.memory_space<vmem>>
    %dma_start3A_75 = tpu.memref_squeeze %dma_start3A_74 : memref<1x32x128xf32, #tpu.memory_space<vmem>> -> memref<32x128xf32, #tpu.memory_space<vmem>>
    %dma_start3A_76 = arith.constant 0 : i32
    %dma_start3A_77 = tpu.memref_slice %arg2[%dma_start3A_76, %mul3A_70] : memref<32x1000000xf32, #tpu.memory_space<hbm>> -> memref<32x128xf32, #tpu.memory_space<hbm>>
    %dma_start3A_78 = arith.constant 0 : i32
    %dma_start3A_79 = arith.constant 0 : i32
    %dma_start3A_80 = tpu.memref_slice %arg8[%dma_start3A_71, %dma_start3A_78, %dma_start3A_79] : memref<2x32x128xf32, #tpu.memory_space<vmem>> -> memref<1x32x128xf32, #tpu.memory_space<vmem>>
    %dma_start3A_81 = tpu.memref_squeeze %dma_start3A_80 : memref<1x32x128xf32, #tpu.memory_space<vmem>> -> memref<32x128xf32, #tpu.memory_space<vmem>>
    %dma_start3A_82 = arith.constant 0 : i32
    %dma_start3A_83 = tpu.memref_slice %arg2[%dma_start3A_82, %mul3A_70] : memref<32x1000000xf32, #tpu.memory_space<hbm>> -> memref<32x128xf32, #tpu.memory_space<hbm>>
    tpu.enqueue_dma source(%dma_start3A_83 : memref<32x128xf32, #tpu.memory_space<hbm>>) target(%dma_start3A_81 : memref<32x128xf32, #tpu.memory_space<vmem>>) target_semaphore(%arg17 : memref<!tpu.dma_semaphore, #tpu.memory_space<semaphore_mem>>)
    %get3A_84 = arith.constant 4 : i32
    %get3A_85 = arith.index_cast %get3A_84 : i32 to index
    %get3A_86 = memref.load %arg6[%get3A_85] : memref<512xi32, #tpu.memory_space<smem>>
    %shift_right_arithmetic3A_87 = arith.constant 7 : i32
    %shift_right_arithmetic3A_88 = arith.shrsi %get3A_86, %shift_right_arithmetic3A_87 : i32
    %mul3A_89 = arith.constant 128 : i32
    %mul3A_90 = arith.muli %shift_right_arithmetic3A_88, %mul3A_89 : i32
    %dma_start3A_91 = arith.constant 0 : i32
    %dma_start3A_92 = arith.constant 0 : i32
    %dma_start3A_93 = arith.constant 0 : i32
    %dma_start3A_94 = tpu.memref_slice %arg9[%dma_start3A_91, %dma_start3A_92, %dma_start3A_93] : memref<2x32x128xf32, #tpu.memory_space<vmem>> -> memref<1x32x128xf32, #tpu.memory_space<vmem>>
    %dma_start3A_95 = tpu.memref_squeeze %dma_start3A_94 : memref<1x32x128xf32, #tpu.memory_space<vmem>> -> memref<32x128xf32, #tpu.memory_space<vmem>>
    %dma_start3A_96 = arith.constant 0 : i32
    %dma_start3A_97 = tpu.memref_slice %arg2[%dma_start3A_96, %mul3A_90] : memref<32x1000000xf32, #tpu.memory_space<hbm>> -> memref<32x128xf32, #tpu.memory_space<hbm>>
    %dma_start3A_98 = arith.constant 0 : i32
    %dma_start3A_99 = arith.constant 0 : i32
    %dma_start3A_100 = tpu.memref_slice %arg9[%dma_start3A_91, %dma_start3A_98, %dma_start3A_99] : memref<2x32x128xf32, #tpu.memory_space<vmem>> -> memref<1x32x128xf32, #tpu.memory_space<vmem>>
    %dma_start3A_101 = tpu.memref_squeeze %dma_start3A_100 : memref<1x32x128xf32, #tpu.memory_space<vmem>> -> memref<32x128xf32, #tpu.memory_space<vmem>>
    %dma_start3A_102 = arith.constant 0 : i32
    %dma_start3A_103 = tpu.memref_slice %arg2[%dma_start3A_102, %mul3A_90] : memref<32x1000000xf32, #tpu.memory_space<hbm>> -> memref<32x128xf32, #tpu.memory_space<hbm>>
    tpu.enqueue_dma source(%dma_start3A_103 : memref<32x128xf32, #tpu.memory_space<hbm>>) target(%dma_start3A_101 : memref<32x128xf32, #tpu.memory_space<vmem>>) target_semaphore(%arg18 : memref<!tpu.dma_semaphore, #tpu.memory_space<semaphore_mem>>)
    %get3A_104 = arith.constant 5 : i32
    %get3A_105 = arith.index_cast %get3A_104 : i32 to index
    %get3A_106 = memref.load %arg6[%get3A_105] : memref<512xi32, #tpu.memory_space<smem>>
    %shift_right_arithmetic3A_107 = arith.constant 7 : i32
    %shift_right_arithmetic3A_108 = arith.shrsi %get3A_106, %shift_right_arithmetic3A_107 : i32
    %mul3A_109 = arith.constant 128 : i32
    %mul3A_110 = arith.muli %shift_right_arithmetic3A_108, %mul3A_109 : i32
    %dma_start3A_111 = arith.constant 1 : i32
    %dma_start3A_112 = arith.constant 0 : i32
    %dma_start3A_113 = arith.constant 0 : i32
    %dma_start3A_114 = tpu.memref_slice %arg9[%dma_start3A_111, %dma_start3A_112, %dma_start3A_113] : memref<2x32x128xf32, #tpu.memory_space<vmem>> -> memref<1x32x128xf32, #tpu.memory_space<vmem>>
    %dma_start3A_115 = tpu.memref_squeeze %dma_start3A_114 : memref<1x32x128xf32, #tpu.memory_space<vmem>> -> memref<32x128xf32, #tpu.memory_space<vmem>>
    %dma_start3A_116 = arith.constant 0 : i32
    %dma_start3A_117 = tpu.memref_slice %arg2[%dma_start3A_116, %mul3A_110] : memref<32x1000000xf32, #tpu.memory_space<hbm>> -> memref<32x128xf32, #tpu.memory_space<hbm>>
    %dma_start3A_118 = arith.constant 0 : i32
    %dma_start3A_119 = arith.constant 0 : i32
    %dma_start3A_120 = tpu.memref_slice %arg9[%dma_start3A_111, %dma_start3A_118, %dma_start3A_119] : memref<2x32x128xf32, #tpu.memory_space<vmem>> -> memref<1x32x128xf32, #tpu.memory_space<vmem>>
    %dma_start3A_121 = tpu.memref_squeeze %dma_start3A_120 : memref<1x32x128xf32, #tpu.memory_space<vmem>> -> memref<32x128xf32, #tpu.memory_space<vmem>>
    %dma_start3A_122 = arith.constant 0 : i32
    %dma_start3A_123 = tpu.memref_slice %arg2[%dma_start3A_122, %mul3A_110] : memref<32x1000000xf32, #tpu.memory_space<hbm>> -> memref<32x128xf32, #tpu.memory_space<hbm>>
    tpu.enqueue_dma source(%dma_start3A_123 : memref<32x128xf32, #tpu.memory_space<hbm>>) target(%dma_start3A_121 : memref<32x128xf32, #tpu.memory_space<vmem>>) target_semaphore(%arg18 : memref<!tpu.dma_semaphore, #tpu.memory_space<semaphore_mem>>)
    %get3A_124 = arith.constant 6 : i32
    %get3A_125 = arith.index_cast %get3A_124 : i32 to index
    %get3A_126 = memref.load %arg6[%get3A_125] : memref<512xi32, #tpu.memory_space<smem>>
    %shift_right_arithmetic3A_127 = arith.constant 7 : i32
    %shift_right_arithmetic3A_128 = arith.shrsi %get3A_126, %shift_right_arithmetic3A_127 : i32
    %mul3A_129 = arith.constant 128 : i32
    %mul3A_130 = arith.muli %shift_right_arithmetic3A_128, %mul3A_129 : i32
    %dma_start3A_131 = arith.constant 0 : i32
    %dma_start3A_132 = arith.constant 0 : i32
    %dma_start3A_133 = arith.constant 0 : i32
    %dma_start3A_134 = tpu.memref_slice %arg10[%dma_start3A_131, %dma_start3A_132, %dma_start3A_133] : memref<2x32x128xf32, #tpu.memory_space<vmem>> -> memref<1x32x128xf32, #tpu.memory_space<vmem>>
    %dma_start3A_135 = tpu.memref_squeeze %dma_start3A_134 : memref<1x32x128xf32, #tpu.memory_space<vmem>> -> memref<32x128xf32, #tpu.memory_space<vmem>>
    %dma_start3A_136 = arith.constant 0 : i32
    %dma_start3A_137 = tpu.memref_slice %arg2[%dma_start3A_136, %mul3A_130] : memref<32x1000000xf32, #tpu.memory_space<hbm>> -> memref<32x128xf32, #tpu.memory_space<hbm>>
    %dma_start3A_138 = arith.constant 0 : i32
    %dma_start3A_139 = arith.constant 0 : i32
    %dma_start3A_140 = tpu.memref_slice %arg10[%dma_start3A_131, %dma_start3A_138, %dma_start3A_139] : memref<2x32x128xf32, #tpu.memory_space<vmem>> -> memref<1x32x128xf32, #tpu.memory_space<vmem>>
    %dma_start3A_141 = tpu.memref_squeeze %dma_start3A_140 : memref<1x32x128xf32, #tpu.memory_space<vmem>> -> memref<32x128xf32, #tpu.memory_space<vmem>>
    %dma_start3A_142 = arith.constant 0 : i32
    %dma_start3A_143 = tpu.memref_slice %arg2[%dma_start3A_142, %mul3A_130] : memref<32x1000000xf32, #tpu.memory_space<hbm>> -> memref<32x128xf32, #tpu.memory_space<hbm>>
    tpu.enqueue_dma source(%dma_start3A_143 : memref<32x128xf32, #tpu.memory_space<hbm>>) target(%dma_start3A_141 : memref<32x128xf32, #tpu.memory_space<vmem>>) target_semaphore(%arg19 : memref<!tpu.dma_semaphore, #tpu.memory_space<semaphore_mem>>)
    %get3A_144 = arith.constant 7 : i32
    %get3A_145 = arith.index_cast %get3A_144 : i32 to index
    %get3A_146 = memref.load %arg6[%get3A_145] : memref<512xi32, #tpu.memory_space<smem>>
    %shift_right_arithmetic3A_147 = arith.constant 7 : i32
    %shift_right_arithmetic3A_148 = arith.shrsi %get3A_146, %shift_right_arithmetic3A_147 : i32
    %mul3A_149 = arith.constant 128 : i32
    %mul3A_150 = arith.muli %shift_right_arithmetic3A_148, %mul3A_149 : i32
    %dma_start3A_151 = arith.constant 1 : i32
    %dma_start3A_152 = arith.constant 0 : i32
    %dma_start3A_153 = arith.constant 0 : i32
    %dma_start3A_154 = tpu.memref_slice %arg10[%dma_start3A_151, %dma_start3A_152, %dma_start3A_153] : memref<2x32x128xf32, #tpu.memory_space<vmem>> -> memref<1x32x128xf32, #tpu.memory_space<vmem>>
    %dma_start3A_155 = tpu.memref_squeeze %dma_start3A_154 : memref<1x32x128xf32, #tpu.memory_space<vmem>> -> memref<32x128xf32, #tpu.memory_space<vmem>>
    %dma_start3A_156 = arith.constant 0 : i32
    %dma_start3A_157 = tpu.memref_slice %arg2[%dma_start3A_156, %mul3A_150] : memref<32x1000000xf32, #tpu.memory_space<hbm>> -> memref<32x128xf32, #tpu.memory_space<hbm>>
    %dma_start3A_158 = arith.constant 0 : i32
    %dma_start3A_159 = arith.constant 0 : i32
    %dma_start3A_160 = tpu.memref_slice %arg10[%dma_start3A_151, %dma_start3A_158, %dma_start3A_159] : memref<2x32x128xf32, #tpu.memory_space<vmem>> -> memref<1x32x128xf32, #tpu.memory_space<vmem>>
    %dma_start3A_161 = tpu.memref_squeeze %dma_start3A_160 : memref<1x32x128xf32, #tpu.memory_space<vmem>> -> memref<32x128xf32, #tpu.memory_space<vmem>>
    %dma_start3A_162 = arith.constant 0 : i32
    %dma_start3A_163 = tpu.memref_slice %arg2[%dma_start3A_162, %mul3A_150] : memref<32x1000000xf32, #tpu.memory_space<hbm>> -> memref<32x128xf32, #tpu.memory_space<hbm>>
    tpu.enqueue_dma source(%dma_start3A_163 : memref<32x128xf32, #tpu.memory_space<hbm>>) target(%dma_start3A_161 : memref<32x128xf32, #tpu.memory_space<vmem>>) target_semaphore(%arg19 : memref<!tpu.dma_semaphore, #tpu.memory_space<semaphore_mem>>)
    %get3A_164 = arith.constant 8 : i32
    %get3A_165 = arith.index_cast %get3A_164 : i32 to index
    %get3A_166 = memref.load %arg6[%get3A_165] : memref<512xi32, #tpu.memory_space<smem>>
    %shift_right_arithmetic3A_167 = arith.constant 7 : i32
    %shift_right_arithmetic3A_168 = arith.shrsi %get3A_166, %shift_right_arithmetic3A_167 : i32
    %mul3A_169 = arith.constant 128 : i32
    %mul3A_170 = arith.muli %shift_right_arithmetic3A_168, %mul3A_169 : i32
    %dma_start3A_171 = arith.constant 0 : i32
    %dma_start3A_172 = arith.constant 0 : i32
    %dma_start3A_173 = arith.constant 0 : i32
    %dma_start3A_174 = tpu.memref_slice %arg11[%dma_start3A_171, %dma_start3A_172, %dma_start3A_173] : memref<2x32x128xf32, #tpu.memory_space<vmem>> -> memref<1x32x128xf32, #tpu.memory_space<vmem>>
    %dma_start3A_175 = tpu.memref_squeeze %dma_start3A_174 : memref<1x32x128xf32, #tpu.memory_space<vmem>> -> memref<32x128xf32, #tpu.memory_space<vmem>>
    %dma_start3A_176 = arith.constant 0 : i32
    %dma_start3A_177 = tpu.memref_slice %arg2[%dma_start3A_176, %mul3A_170] : memref<32x1000000xf32, #tpu.memory_space<hbm>> -> memref<32x128xf32, #tpu.memory_space<hbm>>
    %dma_start3A_178 = arith.constant 0 : i32
    %dma_start3A_179 = arith.constant 0 : i32
    %dma_start3A_180 = tpu.memref_slice %arg11[%dma_start3A_171, %dma_start3A_178, %dma_start3A_179] : memref<2x32x128xf32, #tpu.memory_space<vmem>> -> memref<1x32x128xf32, #tpu.memory_space<vmem>>
    %dma_start3A_181 = tpu.memref_squeeze %dma_start3A_180 : memref<1x32x128xf32, #tpu.memory_space<vmem>> -> memref<32x128xf32, #tpu.memory_space<vmem>>
    %dma_start3A_182 = arith.constant 0 : i32
    %dma_start3A_183 = tpu.memref_slice %arg2[%dma_start3A_182, %mul3A_170] : memref<32x1000000xf32, #tpu.memory_space<hbm>> -> memref<32x128xf32, #tpu.memory_space<hbm>>
    tpu.enqueue_dma source(%dma_start3A_183 : memref<32x128xf32, #tpu.memory_space<hbm>>) target(%dma_start3A_181 : memref<32x128xf32, #tpu.memory_space<vmem>>) target_semaphore(%arg20 : memref<!tpu.dma_semaphore, #tpu.memory_space<semaphore_mem>>)
    %get3A_184 = arith.constant 9 : i32
    %get3A_185 = arith.index_cast %get3A_184 : i32 to index
    %get3A_186 = memref.load %arg6[%get3A_185] : memref<512xi32, #tpu.memory_space<smem>>
    %shift_right_arithmetic3A_187 = arith.constant 7 : i32
    %shift_right_arithmetic3A_188 = arith.shrsi %get3A_186, %shift_right_arithmetic3A_187 : i32
    %mul3A_189 = arith.constant 128 : i32
    %mul3A_190 = arith.muli %shift_right_arithmetic3A_188, %mul3A_189 : i32
    %dma_start3A_191 = arith.constant 1 : i32
    %dma_start3A_192 = arith.constant 0 : i32
    %dma_start3A_193 = arith.constant 0 : i32
    %dma_start3A_194 = tpu.memref_slice %arg11[%dma_start3A_191, %dma_start3A_192, %dma_start3A_193] : memref<2x32x128xf32, #tpu.memory_space<vmem>> -> memref<1x32x128xf32, #tpu.memory_space<vmem>>
    %dma_start3A_195 = tpu.memref_squeeze %dma_start3A_194 : memref<1x32x128xf32, #tpu.memory_space<vmem>> -> memref<32x128xf32, #tpu.memory_space<vmem>>
    %dma_start3A_196 = arith.constant 0 : i32
    %dma_start3A_197 = tpu.memref_slice %arg2[%dma_start3A_196, %mul3A_190] : memref<32x1000000xf32, #tpu.memory_space<hbm>> -> memref<32x128xf32, #tpu.memory_space<hbm>>
    %dma_start3A_198 = arith.constant 0 : i32
    %dma_start3A_199 = arith.constant 0 : i32
    %dma_start3A_200 = tpu.memref_slice %arg11[%dma_start3A_191, %dma_start3A_198, %dma_start3A_199] : memref<2x32x128xf32, #tpu.memory_space<vmem>> -> memref<1x32x128xf32, #tpu.memory_space<vmem>>
    %dma_start3A_201 = tpu.memref_squeeze %dma_start3A_200 : memref<1x32x128xf32, #tpu.memory_space<vmem>> -> memref<32x128xf32, #tpu.memory_space<vmem>>
    %dma_start3A_202 = arith.constant 0 : i32
    %dma_start3A_203 = tpu.memref_slice %arg2[%dma_start3A_202, %mul3A_190] : memref<32x1000000xf32, #tpu.memory_space<hbm>> -> memref<32x128xf32, #tpu.memory_space<hbm>>
    tpu.enqueue_dma source(%dma_start3A_203 : memref<32x128xf32, #tpu.memory_space<hbm>>) target(%dma_start3A_201 : memref<32x128xf32, #tpu.memory_space<vmem>>) target_semaphore(%arg20 : memref<!tpu.dma_semaphore, #tpu.memory_space<semaphore_mem>>)
    %get3A_204 = arith.constant 10 : i32
    %get3A_205 = arith.index_cast %get3A_204 : i32 to index
    %get3A_206 = memref.load %arg6[%get3A_205] : memref<512xi32, #tpu.memory_space<smem>>
    %shift_right_arithmetic3A_207 = arith.constant 7 : i32
    %shift_right_arithmetic3A_208 = arith.shrsi %get3A_206, %shift_right_arithmetic3A_207 : i32
    %mul3A_209 = arith.constant 128 : i32
    %mul3A_210 = arith.muli %shift_right_arithmetic3A_208, %mul3A_209 : i32
    %dma_start3A_211 = arith.constant 0 : i32
    %dma_start3A_212 = arith.constant 0 : i32
    %dma_start3A_213 = arith.constant 0 : i32
    %dma_start3A_214 = tpu.memref_slice %arg12[%dma_start3A_211, %dma_start3A_212, %dma_start3A_213] : memref<2x32x128xf32, #tpu.memory_space<vmem>> -> memref<1x32x128xf32, #tpu.memory_space<vmem>>
    %dma_start3A_215 = tpu.memref_squeeze %dma_start3A_214 : memref<1x32x128xf32, #tpu.memory_space<vmem>> -> memref<32x128xf32, #tpu.memory_space<vmem>>
    %dma_start3A_216 = arith.constant 0 : i32
    %dma_start3A_217 = tpu.memref_slice %arg2[%dma_start3A_216, %mul3A_210] : memref<32x1000000xf32, #tpu.memory_space<hbm>> -> memref<32x128xf32, #tpu.memory_space<hbm>>
    %dma_start3A_218 = arith.constant 0 : i32
    %dma_start3A_219 = arith.constant 0 : i32
    %dma_start3A_220 = tpu.memref_slice %arg12[%dma_start3A_211, %dma_start3A_218, %dma_start3A_219] : memref<2x32x128xf32, #tpu.memory_space<vmem>> -> memref<1x32x128xf32, #tpu.memory_space<vmem>>
    %dma_start3A_221 = tpu.memref_squeeze %dma_start3A_220 : memref<1x32x128xf32, #tpu.memory_space<vmem>> -> memref<32x128xf32, #tpu.memory_space<vmem>>
    %dma_start3A_222 = arith.constant 0 : i32
    %dma_start3A_223 = tpu.memref_slice %arg2[%dma_start3A_222, %mul3A_210] : memref<32x1000000xf32, #tpu.memory_space<hbm>> -> memref<32x128xf32, #tpu.memory_space<hbm>>
    tpu.enqueue_dma source(%dma_start3A_223 : memref<32x128xf32, #tpu.memory_space<hbm>>) target(%dma_start3A_221 : memref<32x128xf32, #tpu.memory_space<vmem>>) target_semaphore(%arg21 : memref<!tpu.dma_semaphore, #tpu.memory_space<semaphore_mem>>)
    %get3A_224 = arith.constant 11 : i32
    %get3A_225 = arith.index_cast %get3A_224 : i32 to index
    %get3A_226 = memref.load %arg6[%get3A_225] : memref<512xi32, #tpu.memory_space<smem>>
    %shift_right_arithmetic3A_227 = arith.constant 7 : i32
    %shift_right_arithmetic3A_228 = arith.shrsi %get3A_226, %shift_right_arithmetic3A_227 : i32
    %mul3A_229 = arith.constant 128 : i32
    %mul3A_230 = arith.muli %shift_right_arithmetic3A_228, %mul3A_229 : i32
    %dma_start3A_231 = arith.constant 1 : i32
    %dma_start3A_232 = arith.constant 0 : i32
    %dma_start3A_233 = arith.constant 0 : i32
    %dma_start3A_234 = tpu.memref_slice %arg12[%dma_start3A_231, %dma_start3A_232, %dma_start3A_233] : memref<2x32x128xf32, #tpu.memory_space<vmem>> -> memref<1x32x128xf32, #tpu.memory_space<vmem>>
    %dma_start3A_235 = tpu.memref_squeeze %dma_start3A_234 : memref<1x32x128xf32, #tpu.memory_space<vmem>> -> memref<32x128xf32, #tpu.memory_space<vmem>>
    %dma_start3A_236 = arith.constant 0 : i32
    %dma_start3A_237 = tpu.memref_slice %arg2[%dma_start3A_236, %mul3A_230] : memref<32x1000000xf32, #tpu.memory_space<hbm>> -> memref<32x128xf32, #tpu.memory_space<hbm>>
    %dma_start3A_238 = arith.constant 0 : i32
    %dma_start3A_239 = arith.constant 0 : i32
    %dma_start3A_240 = tpu.memref_slice %arg12[%dma_start3A_231, %dma_start3A_238, %dma_start3A_239] : memref<2x32x128xf32, #tpu.memory_space<vmem>> -> memref<1x32x128xf32, #tpu.memory_space<vmem>>
    %dma_start3A_241 = tpu.memref_squeeze %dma_start3A_240 : memref<1x32x128xf32, #tpu.memory_space<vmem>> -> memref<32x128xf32, #tpu.memory_space<vmem>>
    %dma_start3A_242 = arith.constant 0 : i32
    %dma_start3A_243 = tpu.memref_slice %arg2[%dma_start3A_242, %mul3A_230] : memref<32x1000000xf32, #tpu.memory_space<hbm>> -> memref<32x128xf32, #tpu.memory_space<hbm>>
    tpu.enqueue_dma source(%dma_start3A_243 : memref<32x128xf32, #tpu.memory_space<hbm>>) target(%dma_start3A_241 : memref<32x128xf32, #tpu.memory_space<vmem>>) target_semaphore(%arg21 : memref<!tpu.dma_semaphore, #tpu.memory_space<semaphore_mem>>)
    %get3A_244 = arith.constant 12 : i32
    %get3A_245 = arith.index_cast %get3A_244 : i32 to index
    %get3A_246 = memref.load %arg6[%get3A_245] : memref<512xi32, #tpu.memory_space<smem>>
    %shift_right_arithmetic3A_247 = arith.constant 7 : i32
    %shift_right_arithmetic3A_248 = arith.shrsi %get3A_246, %shift_right_arithmetic3A_247 : i32
    %mul3A_249 = arith.constant 128 : i32
    %mul3A_250 = arith.muli %shift_right_arithmetic3A_248, %mul3A_249 : i32
    %dma_start3A_251 = arith.constant 0 : i32
    %dma_start3A_252 = arith.constant 0 : i32
    %dma_start3A_253 = arith.constant 0 : i32
    %dma_start3A_254 = tpu.memref_slice %arg13[%dma_start3A_251, %dma_start3A_252, %dma_start3A_253] : memref<2x32x128xf32, #tpu.memory_space<vmem>> -> memref<1x32x128xf32, #tpu.memory_space<vmem>>
    %dma_start3A_255 = tpu.memref_squeeze %dma_start3A_254 : memref<1x32x128xf32, #tpu.memory_space<vmem>> -> memref<32x128xf32, #tpu.memory_space<vmem>>
    %dma_start3A_256 = arith.constant 0 : i32
    %dma_start3A_257 = tpu.memref_slice %arg2[%dma_start3A_256, %mul3A_250] : memref<32x1000000xf32, #tpu.memory_space<hbm>> -> memref<32x128xf32, #tpu.memory_space<hbm>>
    %dma_start3A_258 = arith.constant 0 : i32
    %dma_start3A_259 = arith.constant 0 : i32
    %dma_start3A_260 = tpu.memref_slice %arg13[%dma_start3A_251, %dma_start3A_258, %dma_start3A_259] : memref<2x32x128xf32, #tpu.memory_space<vmem>> -> memref<1x32x128xf32, #tpu.memory_space<vmem>>
    %dma_start3A_261 = tpu.memref_squeeze %dma_start3A_260 : memref<1x32x128xf32, #tpu.memory_space<vmem>> -> memref<32x128xf32, #tpu.memory_space<vmem>>
    %dma_start3A_262 = arith.constant 0 : i32
    %dma_start3A_263 = tpu.memref_slice %arg2[%dma_start3A_262, %mul3A_250] : memref<32x1000000xf32, #tpu.memory_space<hbm>> -> memref<32x128xf32, #tpu.memory_space<hbm>>
    tpu.enqueue_dma source(%dma_start3A_263 : memref<32x128xf32, #tpu.memory_space<hbm>>) target(%dma_start3A_261 : memref<32x128xf32, #tpu.memory_space<vmem>>) target_semaphore(%arg22 : memref<!tpu.dma_semaphore, #tpu.memory_space<semaphore_mem>>)
    %get3A_264 = arith.constant 13 : i32
    %get3A_265 = arith.index_cast %get3A_264 : i32 to index
    %get3A_266 = memref.load %arg6[%get3A_265] : memref<512xi32, #tpu.memory_space<smem>>
    %shift_right_arithmetic3A_267 = arith.constant 7 : i32
    %shift_right_arithmetic3A_268 = arith.shrsi %get3A_266, %shift_right_arithmetic3A_267 : i32
    %mul3A_269 = arith.constant 128 : i32
    %mul3A_270 = arith.muli %shift_right_arithmetic3A_268, %mul3A_269 : i32
    %dma_start3A_271 = arith.constant 1 : i32
    %dma_start3A_272 = arith.constant 0 : i32
    %dma_start3A_273 = arith.constant 0 : i32
    %dma_start3A_274 = tpu.memref_slice %arg13[%dma_start3A_271, %dma_start3A_272, %dma_start3A_273] : memref<2x32x128xf32, #tpu.memory_space<vmem>> -> memref<1x32x128xf32, #tpu.memory_space<vmem>>
    %dma_start3A_275 = tpu.memref_squeeze %dma_start3A_274 : memref<1x32x128xf32, #tpu.memory_space<vmem>> -> memref<32x128xf32, #tpu.memory_space<vmem>>
    %dma_start3A_276 = arith.constant 0 : i32
    %dma_start3A_277 = tpu.memref_slice %arg2[%dma_start3A_276, %mul3A_270] : memref<32x1000000xf32, #tpu.memory_space<hbm>> -> memref<32x128xf32, #tpu.memory_space<hbm>>
    %dma_start3A_278 = arith.constant 0 : i32
    %dma_start3A_279 = arith.constant 0 : i32
    %dma_start3A_280 = tpu.memref_slice %arg13[%dma_start3A_271, %dma_start3A_278, %dma_start3A_279] : memref<2x32x128xf32, #tpu.memory_space<vmem>> -> memref<1x32x128xf32, #tpu.memory_space<vmem>>
    %dma_start3A_281 = tpu.memref_squeeze %dma_start3A_280 : memref<1x32x128xf32, #tpu.memory_space<vmem>> -> memref<32x128xf32, #tpu.memory_space<vmem>>
    %dma_start3A_282 = arith.constant 0 : i32
    %dma_start3A_283 = tpu.memref_slice %arg2[%dma_start3A_282, %mul3A_270] : memref<32x1000000xf32, #tpu.memory_space<hbm>> -> memref<32x128xf32, #tpu.memory_space<hbm>>
    tpu.enqueue_dma source(%dma_start3A_283 : memref<32x128xf32, #tpu.memory_space<hbm>>) target(%dma_start3A_281 : memref<32x128xf32, #tpu.memory_space<vmem>>) target_semaphore(%arg22 : memref<!tpu.dma_semaphore, #tpu.memory_space<semaphore_mem>>)
    %scan3A_284 = arith.constant 0 : i32
    %scan3A_285 = arith.constant 32 : i32
    %scan3A_286 = arith.addi %scan3A_284, %scan3A_285 : i32
    %scan3A_287 = arith.constant 1 : i32
    scf.for %scan3A_289 = %scan3A_284 to %scan3A_286 step %scan3A_287  : i32 {
      %mul3A_290 = arith.constant 8 : i32
      %mul3A_291 = arith.muli %scan3A_289, %mul3A_290 : i32
      %add3A_292 = arith.constant 0 : i32
      %add3A_293 = arith.addi %add3A_292, %mul3A_291 : i32
      %add3A_294 = arith.constant 0 : i32
      %add3A_295 = arith.addi %add3A_293, %add3A_294 : i32
      %add3A_296 = arith.constant 8 : i32
      %add3A_297 = arith.addi %add3A_295, %add3A_296 : i32
      %sub3A = arith.constant 1 : i32
      %sub3A_298 = arith.subi %add3A_297, %sub3A : i32
      %lt3A = arith.constant 256 : i32
      %lt3A_299 = arith.cmpi slt, %sub3A_298, %lt3A : i32
      %convert_element_type3A = arith.extui %lt3A_299 : i1 to i32
      %cond3A = arith.constant 0 : i32
      %cond3A_300 = arith.cmpi ne, %convert_element_type3A, %cond3A : i32
      scf.if %cond3A_300 {
        %add3A_758 = arith.constant 8 : i32
        %add3A_759 = arith.addi %add3A_295, %add3A_758 : i32
        %sub3A_760 = arith.constant 1 : i32
        %sub3A_761 = arith.subi %add3A_759, %sub3A_760 : i32
        %mul3A_762 = arith.constant 2 : i32
        %mul3A_763 = arith.muli %sub3A_761, %mul3A_762 : i32
        %add3A_764 = arith.constant 0 : i32
        %add3A_765 = arith.addi %mul3A_763, %add3A_764 : i32
        %get3A_766 = arith.index_cast %add3A_765 : i32 to index
        %get3A_767 = memref.load %arg6[%get3A_766] : memref<512xi32, #tpu.memory_space<smem>>
        %shift_right_arithmetic3A_768 = arith.constant 7 : i32
        %shift_right_arithmetic3A_769 = arith.shrsi %get3A_767, %shift_right_arithmetic3A_768 : i32
        %mul3A_770 = arith.constant 128 : i32
        %mul3A_771 = arith.muli %shift_right_arithmetic3A_769, %mul3A_770 : i32
        %dma_start3A_772 = arith.constant 0 : i32
        %dma_start3A_773 = arith.constant 0 : i32
        %dma_start3A_774 = arith.constant 0 : i32
        %dma_start3A_775 = tpu.memref_slice %arg14[%dma_start3A_772, %dma_start3A_773, %dma_start3A_774] : memref<2x32x128xf32, #tpu.memory_space<vmem>> -> memref<1x32x128xf32, #tpu.memory_space<vmem>>
        %dma_start3A_776 = tpu.memref_squeeze %dma_start3A_775 : memref<1x32x128xf32, #tpu.memory_space<vmem>> -> memref<32x128xf32, #tpu.memory_space<vmem>>
        %dma_start3A_777 = arith.constant 0 : i32
        %dma_start3A_778 = tpu.memref_slice %arg2[%dma_start3A_777, %mul3A_771] : memref<32x1000000xf32, #tpu.memory_space<hbm>> -> memref<32x128xf32, #tpu.memory_space<hbm>>
        %dma_start3A_779 = arith.constant 0 : i32
        %dma_start3A_780 = arith.constant 0 : i32
        %dma_start3A_781 = tpu.memref_slice %arg14[%dma_start3A_772, %dma_start3A_779, %dma_start3A_780] : memref<2x32x128xf32, #tpu.memory_space<vmem>> -> memref<1x32x128xf32, #tpu.memory_space<vmem>>
        %dma_start3A_782 = tpu.memref_squeeze %dma_start3A_781 : memref<1x32x128xf32, #tpu.memory_space<vmem>> -> memref<32x128xf32, #tpu.memory_space<vmem>>
        %dma_start3A_783 = arith.constant 0 : i32
        %dma_start3A_784 = tpu.memref_slice %arg2[%dma_start3A_783, %mul3A_771] : memref<32x1000000xf32, #tpu.memory_space<hbm>> -> memref<32x128xf32, #tpu.memory_space<hbm>>
        tpu.enqueue_dma source(%dma_start3A_784 : memref<32x128xf32, #tpu.memory_space<hbm>>) target(%dma_start3A_782 : memref<32x128xf32, #tpu.memory_space<vmem>>) target_semaphore(%arg23 : memref<!tpu.dma_semaphore, #tpu.memory_space<semaphore_mem>>)
        %add3A_785 = arith.constant 1 : i32
        %add3A_786 = arith.addi %mul3A_763, %add3A_785 : i32
        %get3A_787 = arith.index_cast %add3A_786 : i32 to index
        %get3A_788 = memref.load %arg6[%get3A_787] : memref<512xi32, #tpu.memory_space<smem>>
        %shift_right_arithmetic3A_789 = arith.constant 7 : i32
        %shift_right_arithmetic3A_790 = arith.shrsi %get3A_788, %shift_right_arithmetic3A_789 : i32
        %mul3A_791 = arith.constant 128 : i32
        %mul3A_792 = arith.muli %shift_right_arithmetic3A_790, %mul3A_791 : i32
        %dma_start3A_793 = arith.constant 1 : i32
        %dma_start3A_794 = arith.constant 0 : i32
        %dma_start3A_795 = arith.constant 0 : i32
        %dma_start3A_796 = tpu.memref_slice %arg14[%dma_start3A_793, %dma_start3A_794, %dma_start3A_795] : memref<2x32x128xf32, #tpu.memory_space<vmem>> -> memref<1x32x128xf32, #tpu.memory_space<vmem>>
        %dma_start3A_797 = tpu.memref_squeeze %dma_start3A_796 : memref<1x32x128xf32, #tpu.memory_space<vmem>> -> memref<32x128xf32, #tpu.memory_space<vmem>>
        %dma_start3A_798 = arith.constant 0 : i32
        %dma_start3A_799 = tpu.memref_slice %arg2[%dma_start3A_798, %mul3A_792] : memref<32x1000000xf32, #tpu.memory_space<hbm>> -> memref<32x128xf32, #tpu.memory_space<hbm>>
        %dma_start3A_800 = arith.constant 0 : i32
        %dma_start3A_801 = arith.constant 0 : i32
        %dma_start3A_802 = tpu.memref_slice %arg14[%dma_start3A_793, %dma_start3A_800, %dma_start3A_801] : memref<2x32x128xf32, #tpu.memory_space<vmem>> -> memref<1x32x128xf32, #tpu.memory_space<vmem>>
        %dma_start3A_803 = tpu.memref_squeeze %dma_start3A_802 : memref<1x32x128xf32, #tpu.memory_space<vmem>> -> memref<32x128xf32, #tpu.memory_space<vmem>>
        %dma_start3A_804 = arith.constant 0 : i32
        %dma_start3A_805 = tpu.memref_slice %arg2[%dma_start3A_804, %mul3A_792] : memref<32x1000000xf32, #tpu.memory_space<hbm>> -> memref<32x128xf32, #tpu.memory_space<hbm>>
        tpu.enqueue_dma source(%dma_start3A_805 : memref<32x128xf32, #tpu.memory_space<hbm>>) target(%dma_start3A_803 : memref<32x128xf32, #tpu.memory_space<vmem>>) target_semaphore(%arg23 : memref<!tpu.dma_semaphore, #tpu.memory_space<semaphore_mem>>)
      } else {
      }
      %dma_wait3A = arith.constant 0 : i32
      %dma_wait3A_301 = arith.constant 0 : i32
      %dma_wait3A_302 = tpu.memref_slice %arg2[%dma_wait3A, %dma_wait3A_301] : memref<32x1000000xf32, #tpu.memory_space<hbm>> -> memref<32x256xf32, #tpu.memory_space<hbm>>
      %dma_wait3A_303 = arith.constant 0 : i32
      %dma_wait3A_304 = arith.constant 0 : i32
      %dma_wait3A_305 = tpu.memref_slice %arg2[%dma_wait3A_303, %dma_wait3A_304] : memref<32x1000000xf32, #tpu.memory_space<hbm>> -> memref<32x256xf32, #tpu.memory_space<hbm>>
      tpu.wait_dma2 semaphore(%arg16 : memref<!tpu.dma_semaphore, #tpu.memory_space<semaphore_mem>>) src(%dma_wait3A_305 : memref<32x256xf32, #tpu.memory_space<hbm>>) dst(%arg7 : memref<2x32x128xf32, #tpu.memory_space<vmem>>)
      %mul3A_306 = arith.constant 2 : i32
      %mul3A_307 = arith.muli %add3A_295, %mul3A_306 : i32
      %add3A_308 = arith.constant 0 : i32
      %add3A_309 = arith.addi %mul3A_307, %add3A_308 : i32
      %get3A_310 = arith.index_cast %add3A_309 : i32 to index
      %get3A_311 = memref.load %arg6[%get3A_310] : memref<512xi32, #tpu.memory_space<smem>>
      %and3A = arith.constant 127 : i32
      %and3A_312 = arith.andi %get3A_311, %and3A : i32
      %broadcast_in_dim3A = vector.broadcast %and3A_312 : i32 to vector<16xi32>
      %broadcast_in_dim3A_313 = arith.constant 0 : i32
      %broadcast_in_dim3A_314 = vector.broadcast %broadcast_in_dim3A_313 : i32 to vector<16xi32>
      %add3A_315 = arith.constant 0 : i32
      %add3A_316 = arith.addi %mul3A_307, %add3A_315 : i32
      %broadcast_in_dim3A_317 = vector.broadcast %add3A_316 : i32 to vector<16xi32>
      %gather3A = tpu.vector_load_idx %arg7[%broadcast_in_dim3A_314, %iota3A, %broadcast_in_dim3A] : memref<2x32x128xf32, #tpu.memory_space<vmem>>[vector<16xi32>, vector<16xi32>, vector<16xi32>], vector<16xf32>,
      %add3A_318 = arith.constant 16 : i32
      %add3A_319 = vector.broadcast %add3A_318 : i32 to vector<16xi32>
      %add3A_320 = arith.addi %iota3A, %add3A_319 : vector<16xi32>
      %gather3A_321 = tpu.vector_load_idx %arg7[%broadcast_in_dim3A_314, %add3A_320, %broadcast_in_dim3A] : memref<2x32x128xf32, #tpu.memory_space<vmem>>[vector<16xi32>, vector<16xi32>, vector<16xi32>], vector<16xf32>,
      tpu.vector_store_idx %arg15[%iota3A, %broadcast_in_dim3A_317], %gather3A : memref<32x512xf32, #tpu.memory_space<vmem>>[vector<16xi32>, vector<16xi32>], vector<16xf32>,
      %add3A_322 = arith.constant 16 : i32
      %add3A_323 = vector.broadcast %add3A_322 : i32 to vector<16xi32>
      %add3A_324 = arith.addi %iota3A, %add3A_323 : vector<16xi32>
      tpu.vector_store_idx %arg15[%add3A_324, %broadcast_in_dim3A_317], %gather3A_321 : memref<32x512xf32, #tpu.memory_space<vmem>>[vector<16xi32>, vector<16xi32>], vector<16xf32>,
      %add3A_325 = arith.constant 1 : i32
      %add3A_326 = arith.addi %mul3A_307, %add3A_325 : i32
      %get3A_327 = arith.index_cast %add3A_326 : i32 to index
      %get3A_328 = memref.load %arg6[%get3A_327] : memref<512xi32, #tpu.memory_space<smem>>
      %and3A_329 = arith.constant 127 : i32
      %and3A_330 = arith.andi %get3A_328, %and3A_329 : i32
      %broadcast_in_dim3A_331 = vector.broadcast %and3A_330 : i32 to vector<16xi32>
      %broadcast_in_dim3A_332 = arith.constant 1 : i32
      %broadcast_in_dim3A_333 = vector.broadcast %broadcast_in_dim3A_332 : i32 to vector<16xi32>
      %add3A_334 = arith.constant 1 : i32
      %add3A_335 = arith.addi %mul3A_307, %add3A_334 : i32
      %broadcast_in_dim3A_336 = vector.broadcast %add3A_335 : i32 to vector<16xi32>
      %gather3A_337 = tpu.vector_load_idx %arg7[%broadcast_in_dim3A_333, %iota3A, %broadcast_in_dim3A_331] : memref<2x32x128xf32, #tpu.memory_space<vmem>>[vector<16xi32>, vector<16xi32>, vector<16xi32>], vector<16xf32>,
      %add3A_338 = arith.constant 16 : i32
      %add3A_339 = vector.broadcast %add3A_338 : i32 to vector<16xi32>
      %add3A_340 = arith.addi %iota3A, %add3A_339 : vector<16xi32>
      %gather3A_341 = tpu.vector_load_idx %arg7[%broadcast_in_dim3A_333, %add3A_340, %broadcast_in_dim3A_331] : memref<2x32x128xf32, #tpu.memory_space<vmem>>[vector<16xi32>, vector<16xi32>, vector<16xi32>], vector<16xf32>,
      tpu.vector_store_idx %arg15[%iota3A, %broadcast_in_dim3A_336], %gather3A_337 : memref<32x512xf32, #tpu.memory_space<vmem>>[vector<16xi32>, vector<16xi32>], vector<16xf32>,
      %add3A_342 = arith.constant 16 : i32
      %add3A_343 = vector.broadcast %add3A_342 : i32 to vector<16xi32>
      %add3A_344 = arith.addi %iota3A, %add3A_343 : vector<16xi32>
      tpu.vector_store_idx %arg15[%add3A_344, %broadcast_in_dim3A_336], %gather3A_341 : memref<32x512xf32, #tpu.memory_space<vmem>>[vector<16xi32>, vector<16xi32>], vector<16xf32>,
      %add3A_345 = arith.constant 1 : i32
      %add3A_346 = arith.addi %add3A_293, %add3A_345 : i32
      %add3A_347 = arith.constant 8 : i32
      %add3A_348 = arith.addi %add3A_346, %add3A_347 : i32
      %sub3A_349 = arith.constant 1 : i32
      %sub3A_350 = arith.subi %add3A_348, %sub3A_349 : i32
      %lt3A_351 = arith.constant 256 : i32
      %lt3A_352 = arith.cmpi slt, %sub3A_350, %lt3A_351 : i32
      %convert_element_type3A_353 = arith.extui %lt3A_352 : i1 to i32
      %cond3A_354 = arith.constant 0 : i32
      %cond3A_355 = arith.cmpi ne, %convert_element_type3A_353, %cond3A_354 : i32
      scf.if %cond3A_355 {
        %add3A_758 = arith.constant 8 : i32
        %add3A_759 = arith.addi %add3A_346, %add3A_758 : i32
        %sub3A_760 = arith.constant 1 : i32
        %sub3A_761 = arith.subi %add3A_759, %sub3A_760 : i32
        %mul3A_762 = arith.constant 2 : i32
        %mul3A_763 = arith.muli %sub3A_761, %mul3A_762 : i32
        %add3A_764 = arith.constant 0 : i32
        %add3A_765 = arith.addi %mul3A_763, %add3A_764 : i32
        %get3A_766 = arith.index_cast %add3A_765 : i32 to index
        %get3A_767 = memref.load %arg6[%get3A_766] : memref<512xi32, #tpu.memory_space<smem>>
        %shift_right_arithmetic3A_768 = arith.constant 7 : i32
        %shift_right_arithmetic3A_769 = arith.shrsi %get3A_767, %shift_right_arithmetic3A_768 : i32
        %mul3A_770 = arith.constant 128 : i32
        %mul3A_771 = arith.muli %shift_right_arithmetic3A_769, %mul3A_770 : i32
        %dma_start3A_772 = arith.constant 0 : i32
        %dma_start3A_773 = arith.constant 0 : i32
        %dma_start3A_774 = arith.constant 0 : i32
        %dma_start3A_775 = tpu.memref_slice %arg7[%dma_start3A_772, %dma_start3A_773, %dma_start3A_774] : memref<2x32x128xf32, #tpu.memory_space<vmem>> -> memref<1x32x128xf32, #tpu.memory_space<vmem>>
        %dma_start3A_776 = tpu.memref_squeeze %dma_start3A_775 : memref<1x32x128xf32, #tpu.memory_space<vmem>> -> memref<32x128xf32, #tpu.memory_space<vmem>>
        %dma_start3A_777 = arith.constant 0 : i32
        %dma_start3A_778 = tpu.memref_slice %arg2[%dma_start3A_777, %mul3A_771] : memref<32x1000000xf32, #tpu.memory_space<hbm>> -> memref<32x128xf32, #tpu.memory_space<hbm>>
        %dma_start3A_779 = arith.constant 0 : i32
        %dma_start3A_780 = arith.constant 0 : i32
        %dma_start3A_781 = tpu.memref_slice %arg7[%dma_start3A_772, %dma_start3A_779, %dma_start3A_780] : memref<2x32x128xf32, #tpu.memory_space<vmem>> -> memref<1x32x128xf32, #tpu.memory_space<vmem>>
        %dma_start3A_782 = tpu.memref_squeeze %dma_start3A_781 : memref<1x32x128xf32, #tpu.memory_space<vmem>> -> memref<32x128xf32, #tpu.memory_space<vmem>>
        %dma_start3A_783 = arith.constant 0 : i32
        %dma_start3A_784 = tpu.memref_slice %arg2[%dma_start3A_783, %mul3A_771] : memref<32x1000000xf32, #tpu.memory_space<hbm>> -> memref<32x128xf32, #tpu.memory_space<hbm>>
        tpu.enqueue_dma source(%dma_start3A_784 : memref<32x128xf32, #tpu.memory_space<hbm>>) target(%dma_start3A_782 : memref<32x128xf32, #tpu.memory_space<vmem>>) target_semaphore(%arg16 : memref<!tpu.dma_semaphore, #tpu.memory_space<semaphore_mem>>)
        %add3A_785 = arith.constant 1 : i32
        %add3A_786 = arith.addi %mul3A_763, %add3A_785 : i32
        %get3A_787 = arith.index_cast %add3A_786 : i32 to index
        %get3A_788 = memref.load %arg6[%get3A_787] : memref<512xi32, #tpu.memory_space<smem>>
        %shift_right_arithmetic3A_789 = arith.constant 7 : i32
        %shift_right_arithmetic3A_790 = arith.shrsi %get3A_788, %shift_right_arithmetic3A_789 : i32
        %mul3A_791 = arith.constant 128 : i32
        %mul3A_792 = arith.muli %shift_right_arithmetic3A_790, %mul3A_791 : i32
        %dma_start3A_793 = arith.constant 1 : i32
        %dma_start3A_794 = arith.constant 0 : i32
        %dma_start3A_795 = arith.constant 0 : i32
        %dma_start3A_796 = tpu.memref_slice %arg7[%dma_start3A_793, %dma_start3A_794, %dma_start3A_795] : memref<2x32x128xf32, #tpu.memory_space<vmem>> -> memref<1x32x128xf32, #tpu.memory_space<vmem>>
        %dma_start3A_797 = tpu.memref_squeeze %dma_start3A_796 : memref<1x32x128xf32, #tpu.memory_space<vmem>> -> memref<32x128xf32, #tpu.memory_space<vmem>>
        %dma_start3A_798 = arith.constant 0 : i32
        %dma_start3A_799 = tpu.memref_slice %arg2[%dma_start3A_798, %mul3A_792] : memref<32x1000000xf32, #tpu.memory_space<hbm>> -> memref<32x128xf32, #tpu.memory_space<hbm>>
        %dma_start3A_800 = arith.constant 0 : i32
        %dma_start3A_801 = arith.constant 0 : i32
        %dma_start3A_802 = tpu.memref_slice %arg7[%dma_start3A_793, %dma_start3A_800, %dma_start3A_801] : memref<2x32x128xf32, #tpu.memory_space<vmem>> -> memref<1x32x128xf32, #tpu.memory_space<vmem>>
        %dma_start3A_803 = tpu.memref_squeeze %dma_start3A_802 : memref<1x32x128xf32, #tpu.memory_space<vmem>> -> memref<32x128xf32, #tpu.memory_space<vmem>>
        %dma_start3A_804 = arith.constant 0 : i32
        %dma_start3A_805 = tpu.memref_slice %arg2[%dma_start3A_804, %mul3A_792] : memref<32x1000000xf32, #tpu.memory_space<hbm>> -> memref<32x128xf32, #tpu.memory_space<hbm>>
        tpu.enqueue_dma source(%dma_start3A_805 : memref<32x128xf32, #tpu.memory_space<hbm>>) target(%dma_start3A_803 : memref<32x128xf32, #tpu.memory_space<vmem>>) target_semaphore(%arg16 : memref<!tpu.dma_semaphore, #tpu.memory_space<semaphore_mem>>)
      } else {
      }
      %dma_wait3A_356 = arith.constant 0 : i32
      %dma_wait3A_357 = arith.constant 0 : i32
      %dma_wait3A_358 = tpu.memref_slice %arg2[%dma_wait3A_356, %dma_wait3A_357] : memref<32x1000000xf32, #tpu.memory_space<hbm>> -> memref<32x256xf32, #tpu.memory_space<hbm>>
      %dma_wait3A_359 = arith.constant 0 : i32
      %dma_wait3A_360 = arith.constant 0 : i32
      %dma_wait3A_361 = tpu.memref_slice %arg2[%dma_wait3A_359, %dma_wait3A_360] : memref<32x1000000xf32, #tpu.memory_space<hbm>> -> memref<32x256xf32, #tpu.memory_space<hbm>>
      tpu.wait_dma2 semaphore(%arg17 : memref<!tpu.dma_semaphore, #tpu.memory_space<semaphore_mem>>) src(%dma_wait3A_361 : memref<32x256xf32, #tpu.memory_space<hbm>>) dst(%arg8 : memref<2x32x128xf32, #tpu.memory_space<vmem>>)
      %mul3A_362 = arith.constant 2 : i32
      %mul3A_363 = arith.muli %add3A_346, %mul3A_362 : i32
      %add3A_364 = arith.constant 0 : i32
      %add3A_365 = arith.addi %mul3A_363, %add3A_364 : i32
      %get3A_366 = arith.index_cast %add3A_365 : i32 to index
      %get3A_367 = memref.load %arg6[%get3A_366] : memref<512xi32, #tpu.memory_space<smem>>
      %and3A_368 = arith.constant 127 : i32
      %and3A_369 = arith.andi %get3A_367, %and3A_368 : i32
      %broadcast_in_dim3A_370 = vector.broadcast %and3A_369 : i32 to vector<16xi32>
      %broadcast_in_dim3A_371 = arith.constant 0 : i32
      %broadcast_in_dim3A_372 = vector.broadcast %broadcast_in_dim3A_371 : i32 to vector<16xi32>
      %add3A_373 = arith.constant 0 : i32
      %add3A_374 = arith.addi %mul3A_363, %add3A_373 : i32
      %broadcast_in_dim3A_375 = vector.broadcast %add3A_374 : i32 to vector<16xi32>
      %gather3A_376 = tpu.vector_load_idx %arg8[%broadcast_in_dim3A_372, %iota3A, %broadcast_in_dim3A_370] : memref<2x32x128xf32, #tpu.memory_space<vmem>>[vector<16xi32>, vector<16xi32>, vector<16xi32>], vector<16xf32>,
      %add3A_377 = arith.constant 16 : i32
      %add3A_378 = vector.broadcast %add3A_377 : i32 to vector<16xi32>
      %add3A_379 = arith.addi %iota3A, %add3A_378 : vector<16xi32>
      %gather3A_380 = tpu.vector_load_idx %arg8[%broadcast_in_dim3A_372, %add3A_379, %broadcast_in_dim3A_370] : memref<2x32x128xf32, #tpu.memory_space<vmem>>[vector<16xi32>, vector<16xi32>, vector<16xi32>], vector<16xf32>,
      tpu.vector_store_idx %arg15[%iota3A, %broadcast_in_dim3A_375], %gather3A_376 : memref<32x512xf32, #tpu.memory_space<vmem>>[vector<16xi32>, vector<16xi32>], vector<16xf32>,
      %add3A_381 = arith.constant 16 : i32
      %add3A_382 = vector.broadcast %add3A_381 : i32 to vector<16xi32>
      %add3A_383 = arith.addi %iota3A, %add3A_382 : vector<16xi32>
      tpu.vector_store_idx %arg15[%add3A_383, %broadcast_in_dim3A_375], %gather3A_380 : memref<32x512xf32, #tpu.memory_space<vmem>>[vector<16xi32>, vector<16xi32>], vector<16xf32>,
      %add3A_384 = arith.constant 1 : i32
      %add3A_385 = arith.addi %mul3A_363, %add3A_384 : i32
      %get3A_386 = arith.index_cast %add3A_385 : i32 to index
      %get3A_387 = memref.load %arg6[%get3A_386] : memref<512xi32, #tpu.memory_space<smem>>
      %and3A_388 = arith.constant 127 : i32
      %and3A_389 = arith.andi %get3A_387, %and3A_388 : i32
      %broadcast_in_dim3A_390 = vector.broadcast %and3A_389 : i32 to vector<16xi32>
      %broadcast_in_dim3A_391 = arith.constant 1 : i32
      %broadcast_in_dim3A_392 = vector.broadcast %broadcast_in_dim3A_391 : i32 to vector<16xi32>
      %add3A_393 = arith.constant 1 : i32
      %add3A_394 = arith.addi %mul3A_363, %add3A_393 : i32
      %broadcast_in_dim3A_395 = vector.broadcast %add3A_394 : i32 to vector<16xi32>
      %gather3A_396 = tpu.vector_load_idx %arg8[%broadcast_in_dim3A_392, %iota3A, %broadcast_in_dim3A_390] : memref<2x32x128xf32, #tpu.memory_space<vmem>>[vector<16xi32>, vector<16xi32>, vector<16xi32>], vector<16xf32>,
      %add3A_397 = arith.constant 16 : i32
      %add3A_398 = vector.broadcast %add3A_397 : i32 to vector<16xi32>
      %add3A_399 = arith.addi %iota3A, %add3A_398 : vector<16xi32>
      %gather3A_400 = tpu.vector_load_idx %arg8[%broadcast_in_dim3A_392, %add3A_399, %broadcast_in_dim3A_390] : memref<2x32x128xf32, #tpu.memory_space<vmem>>[vector<16xi32>, vector<16xi32>, vector<16xi32>], vector<16xf32>,
      tpu.vector_store_idx %arg15[%iota3A, %broadcast_in_dim3A_395], %gather3A_396 : memref<32x512xf32, #tpu.memory_space<vmem>>[vector<16xi32>, vector<16xi32>], vector<16xf32>,
      %add3A_401 = arith.constant 16 : i32
      %add3A_402 = vector.broadcast %add3A_401 : i32 to vector<16xi32>
      %add3A_403 = arith.addi %iota3A, %add3A_402 : vector<16xi32>
      tpu.vector_store_idx %arg15[%add3A_403, %broadcast_in_dim3A_395], %gather3A_400 : memref<32x512xf32, #tpu.memory_space<vmem>>[vector<16xi32>, vector<16xi32>], vector<16xf32>,
      %add3A_404 = arith.constant 2 : i32
      %add3A_405 = arith.addi %add3A_293, %add3A_404 : i32
      %add3A_406 = arith.constant 8 : i32
      %add3A_407 = arith.addi %add3A_405, %add3A_406 : i32
      %sub3A_408 = arith.constant 1 : i32
      %sub3A_409 = arith.subi %add3A_407, %sub3A_408 : i32
      %lt3A_410 = arith.constant 256 : i32
      %lt3A_411 = arith.cmpi slt, %sub3A_409, %lt3A_410 : i32
      %convert_element_type3A_412 = arith.extui %lt3A_411 : i1 to i32
      %cond3A_413 = arith.constant 0 : i32
      %cond3A_414 = arith.cmpi ne, %convert_element_type3A_412, %cond3A_413 : i32
      scf.if %cond3A_414 {
        %add3A_758 = arith.constant 8 : i32
        %add3A_759 = arith.addi %add3A_405, %add3A_758 : i32
        %sub3A_760 = arith.constant 1 : i32
        %sub3A_761 = arith.subi %add3A_759, %sub3A_760 : i32
        %mul3A_762 = arith.constant 2 : i32
        %mul3A_763 = arith.muli %sub3A_761, %mul3A_762 : i32
        %add3A_764 = arith.constant 0 : i32
        %add3A_765 = arith.addi %mul3A_763, %add3A_764 : i32
        %get3A_766 = arith.index_cast %add3A_765 : i32 to index
        %get3A_767 = memref.load %arg6[%get3A_766] : memref<512xi32, #tpu.memory_space<smem>>
        %shift_right_arithmetic3A_768 = arith.constant 7 : i32
        %shift_right_arithmetic3A_769 = arith.shrsi %get3A_767, %shift_right_arithmetic3A_768 : i32
        %mul3A_770 = arith.constant 128 : i32
        %mul3A_771 = arith.muli %shift_right_arithmetic3A_769, %mul3A_770 : i32
        %dma_start3A_772 = arith.constant 0 : i32
        %dma_start3A_773 = arith.constant 0 : i32
        %dma_start3A_774 = arith.constant 0 : i32
        %dma_start3A_775 = tpu.memref_slice %arg8[%dma_start3A_772, %dma_start3A_773, %dma_start3A_774] : memref<2x32x128xf32, #tpu.memory_space<vmem>> -> memref<1x32x128xf32, #tpu.memory_space<vmem>>
        %dma_start3A_776 = tpu.memref_squeeze %dma_start3A_775 : memref<1x32x128xf32, #tpu.memory_space<vmem>> -> memref<32x128xf32, #tpu.memory_space<vmem>>
        %dma_start3A_777 = arith.constant 0 : i32
        %dma_start3A_778 = tpu.memref_slice %arg2[%dma_start3A_777, %mul3A_771] : memref<32x1000000xf32, #tpu.memory_space<hbm>> -> memref<32x128xf32, #tpu.memory_space<hbm>>
        %dma_start3A_779 = arith.constant 0 : i32
        %dma_start3A_780 = arith.constant 0 : i32
        %dma_start3A_781 = tpu.memref_slice %arg8[%dma_start3A_772, %dma_start3A_779, %dma_start3A_780] : memref<2x32x128xf32, #tpu.memory_space<vmem>> -> memref<1x32x128xf32, #tpu.memory_space<vmem>>
        %dma_start3A_782 = tpu.memref_squeeze %dma_start3A_781 : memref<1x32x128xf32, #tpu.memory_space<vmem>> -> memref<32x128xf32, #tpu.memory_space<vmem>>
        %dma_start3A_783 = arith.constant 0 : i32
        %dma_start3A_784 = tpu.memref_slice %arg2[%dma_start3A_783, %mul3A_771] : memref<32x1000000xf32, #tpu.memory_space<hbm>> -> memref<32x128xf32, #tpu.memory_space<hbm>>
        tpu.enqueue_dma source(%dma_start3A_784 : memref<32x128xf32, #tpu.memory_space<hbm>>) target(%dma_start3A_782 : memref<32x128xf32, #tpu.memory_space<vmem>>) target_semaphore(%arg17 : memref<!tpu.dma_semaphore, #tpu.memory_space<semaphore_mem>>)
        %add3A_785 = arith.constant 1 : i32
        %add3A_786 = arith.addi %mul3A_763, %add3A_785 : i32
        %get3A_787 = arith.index_cast %add3A_786 : i32 to index
        %get3A_788 = memref.load %arg6[%get3A_787] : memref<512xi32, #tpu.memory_space<smem>>
        %shift_right_arithmetic3A_789 = arith.constant 7 : i32
        %shift_right_arithmetic3A_790 = arith.shrsi %get3A_788, %shift_right_arithmetic3A_789 : i32
        %mul3A_791 = arith.constant 128 : i32
        %mul3A_792 = arith.muli %shift_right_arithmetic3A_790, %mul3A_791 : i32
        %dma_start3A_793 = arith.constant 1 : i32
        %dma_start3A_794 = arith.constant 0 : i32
        %dma_start3A_795 = arith.constant 0 : i32
        %dma_start3A_796 = tpu.memref_slice %arg8[%dma_start3A_793, %dma_start3A_794, %dma_start3A_795] : memref<2x32x128xf32, #tpu.memory_space<vmem>> -> memref<1x32x128xf32, #tpu.memory_space<vmem>>
        %dma_start3A_797 = tpu.memref_squeeze %dma_start3A_796 : memref<1x32x128xf32, #tpu.memory_space<vmem>> -> memref<32x128xf32, #tpu.memory_space<vmem>>
        %dma_start3A_798 = arith.constant 0 : i32
        %dma_start3A_799 = tpu.memref_slice %arg2[%dma_start3A_798, %mul3A_792] : memref<32x1000000xf32, #tpu.memory_space<hbm>> -> memref<32x128xf32, #tpu.memory_space<hbm>>
        %dma_start3A_800 = arith.constant 0 : i32
        %dma_start3A_801 = arith.constant 0 : i32
        %dma_start3A_802 = tpu.memref_slice %arg8[%dma_start3A_793, %dma_start3A_800, %dma_start3A_801] : memref<2x32x128xf32, #tpu.memory_space<vmem>> -> memref<1x32x128xf32, #tpu.memory_space<vmem>>
        %dma_start3A_803 = tpu.memref_squeeze %dma_start3A_802 : memref<1x32x128xf32, #tpu.memory_space<vmem>> -> memref<32x128xf32, #tpu.memory_space<vmem>>
        %dma_start3A_804 = arith.constant 0 : i32
        %dma_start3A_805 = tpu.memref_slice %arg2[%dma_start3A_804, %mul3A_792] : memref<32x1000000xf32, #tpu.memory_space<hbm>> -> memref<32x128xf32, #tpu.memory_space<hbm>>
        tpu.enqueue_dma source(%dma_start3A_805 : memref<32x128xf32, #tpu.memory_space<hbm>>) target(%dma_start3A_803 : memref<32x128xf32, #tpu.memory_space<vmem>>) target_semaphore(%arg17 : memref<!tpu.dma_semaphore, #tpu.memory_space<semaphore_mem>>)
      } else {
      }
      %dma_wait3A_415 = arith.constant 0 : i32
      %dma_wait3A_416 = arith.constant 0 : i32
      %dma_wait3A_417 = tpu.memref_slice %arg2[%dma_wait3A_415, %dma_wait3A_416] : memref<32x1000000xf32, #tpu.memory_space<hbm>> -> memref<32x256xf32, #tpu.memory_space<hbm>>
      %dma_wait3A_418 = arith.constant 0 : i32
      %dma_wait3A_419 = arith.constant 0 : i32
      %dma_wait3A_420 = tpu.memref_slice %arg2[%dma_wait3A_418, %dma_wait3A_419] : memref<32x1000000xf32, #tpu.memory_space<hbm>> -> memref<32x256xf32, #tpu.memory_space<hbm>>
      tpu.wait_dma2 semaphore(%arg18 : memref<!tpu.dma_semaphore, #tpu.memory_space<semaphore_mem>>) src(%dma_wait3A_420 : memref<32x256xf32, #tpu.memory_space<hbm>>) dst(%arg9 : memref<2x32x128xf32, #tpu.memory_space<vmem>>)
      %mul3A_421 = arith.constant 2 : i32
      %mul3A_422 = arith.muli %add3A_405, %mul3A_421 : i32
      %add3A_423 = arith.constant 0 : i32
      %add3A_424 = arith.addi %mul3A_422, %add3A_423 : i32
      %get3A_425 = arith.index_cast %add3A_424 : i32 to index
      %get3A_426 = memref.load %arg6[%get3A_425] : memref<512xi32, #tpu.memory_space<smem>>
      %and3A_427 = arith.constant 127 : i32
      %and3A_428 = arith.andi %get3A_426, %and3A_427 : i32
      %broadcast_in_dim3A_429 = vector.broadcast %and3A_428 : i32 to vector<16xi32>
      %broadcast_in_dim3A_430 = arith.constant 0 : i32
      %broadcast_in_dim3A_431 = vector.broadcast %broadcast_in_dim3A_430 : i32 to vector<16xi32>
      %add3A_432 = arith.constant 0 : i32
      %add3A_433 = arith.addi %mul3A_422, %add3A_432 : i32
      %broadcast_in_dim3A_434 = vector.broadcast %add3A_433 : i32 to vector<16xi32>
      %gather3A_435 = tpu.vector_load_idx %arg9[%broadcast_in_dim3A_431, %iota3A, %broadcast_in_dim3A_429] : memref<2x32x128xf32, #tpu.memory_space<vmem>>[vector<16xi32>, vector<16xi32>, vector<16xi32>], vector<16xf32>,
      %add3A_436 = arith.constant 16 : i32
      %add3A_437 = vector.broadcast %add3A_436 : i32 to vector<16xi32>
      %add3A_438 = arith.addi %iota3A, %add3A_437 : vector<16xi32>
      %gather3A_439 = tpu.vector_load_idx %arg9[%broadcast_in_dim3A_431, %add3A_438, %broadcast_in_dim3A_429] : memref<2x32x128xf32, #tpu.memory_space<vmem>>[vector<16xi32>, vector<16xi32>, vector<16xi32>], vector<16xf32>,
      tpu.vector_store_idx %arg15[%iota3A, %broadcast_in_dim3A_434], %gather3A_435 : memref<32x512xf32, #tpu.memory_space<vmem>>[vector<16xi32>, vector<16xi32>], vector<16xf32>,
      %add3A_440 = arith.constant 16 : i32
      %add3A_441 = vector.broadcast %add3A_440 : i32 to vector<16xi32>
      %add3A_442 = arith.addi %iota3A, %add3A_441 : vector<16xi32>
      tpu.vector_store_idx %arg15[%add3A_442, %broadcast_in_dim3A_434], %gather3A_439 : memref<32x512xf32, #tpu.memory_space<vmem>>[vector<16xi32>, vector<16xi32>], vector<16xf32>,
      %add3A_443 = arith.constant 1 : i32
      %add3A_444 = arith.addi %mul3A_422, %add3A_443 : i32
      %get3A_445 = arith.index_cast %add3A_444 : i32 to index
      %get3A_446 = memref.load %arg6[%get3A_445] : memref<512xi32, #tpu.memory_space<smem>>
      %and3A_447 = arith.constant 127 : i32
      %and3A_448 = arith.andi %get3A_446, %and3A_447 : i32
      %broadcast_in_dim3A_449 = vector.broadcast %and3A_448 : i32 to vector<16xi32>
      %broadcast_in_dim3A_450 = arith.constant 1 : i32
      %broadcast_in_dim3A_451 = vector.broadcast %broadcast_in_dim3A_450 : i32 to vector<16xi32>
      %add3A_452 = arith.constant 1 : i32
      %add3A_453 = arith.addi %mul3A_422, %add3A_452 : i32
      %broadcast_in_dim3A_454 = vector.broadcast %add3A_453 : i32 to vector<16xi32>
      %gather3A_455 = tpu.vector_load_idx %arg9[%broadcast_in_dim3A_451, %iota3A, %broadcast_in_dim3A_449] : memref<2x32x128xf32, #tpu.memory_space<vmem>>[vector<16xi32>, vector<16xi32>, vector<16xi32>], vector<16xf32>,
      %add3A_456 = arith.constant 16 : i32
      %add3A_457 = vector.broadcast %add3A_456 : i32 to vector<16xi32>
      %add3A_458 = arith.addi %iota3A, %add3A_457 : vector<16xi32>
      %gather3A_459 = tpu.vector_load_idx %arg9[%broadcast_in_dim3A_451, %add3A_458, %broadcast_in_dim3A_449] : memref<2x32x128xf32, #tpu.memory_space<vmem>>[vector<16xi32>, vector<16xi32>, vector<16xi32>], vector<16xf32>,
      tpu.vector_store_idx %arg15[%iota3A, %broadcast_in_dim3A_454], %gather3A_455 : memref<32x512xf32, #tpu.memory_space<vmem>>[vector<16xi32>, vector<16xi32>], vector<16xf32>,
      %add3A_460 = arith.constant 16 : i32
      %add3A_461 = vector.broadcast %add3A_460 : i32 to vector<16xi32>
      %add3A_462 = arith.addi %iota3A, %add3A_461 : vector<16xi32>
      tpu.vector_store_idx %arg15[%add3A_462, %broadcast_in_dim3A_454], %gather3A_459 : memref<32x512xf32, #tpu.memory_space<vmem>>[vector<16xi32>, vector<16xi32>], vector<16xf32>,
      %add3A_463 = arith.constant 3 : i32
      %add3A_464 = arith.addi %add3A_293, %add3A_463 : i32
      %add3A_465 = arith.constant 8 : i32
      %add3A_466 = arith.addi %add3A_464, %add3A_465 : i32
      %sub3A_467 = arith.constant 1 : i32
      %sub3A_468 = arith.subi %add3A_466, %sub3A_467 : i32
      %lt3A_469 = arith.constant 256 : i32
      %lt3A_470 = arith.cmpi slt, %sub3A_468, %lt3A_469 : i32
      %convert_element_type3A_471 = arith.extui %lt3A_470 : i1 to i32
      %cond3A_472 = arith.constant 0 : i32
      %cond3A_473 = arith.cmpi ne, %convert_element_type3A_471, %cond3A_472 : i32
      scf.if %cond3A_473 {
        %add3A_758 = arith.constant 8 : i32
        %add3A_759 = arith.addi %add3A_464, %add3A_758 : i32
        %sub3A_760 = arith.constant 1 : i32
        %sub3A_761 = arith.subi %add3A_759, %sub3A_760 : i32
        %mul3A_762 = arith.constant 2 : i32
        %mul3A_763 = arith.muli %sub3A_761, %mul3A_762 : i32
        %add3A_764 = arith.constant 0 : i32
        %add3A_765 = arith.addi %mul3A_763, %add3A_764 : i32
        %get3A_766 = arith.index_cast %add3A_765 : i32 to index
        %get3A_767 = memref.load %arg6[%get3A_766] : memref<512xi32, #tpu.memory_space<smem>>
        %shift_right_arithmetic3A_768 = arith.constant 7 : i32
        %shift_right_arithmetic3A_769 = arith.shrsi %get3A_767, %shift_right_arithmetic3A_768 : i32
        %mul3A_770 = arith.constant 128 : i32
        %mul3A_771 = arith.muli %shift_right_arithmetic3A_769, %mul3A_770 : i32
        %dma_start3A_772 = arith.constant 0 : i32
        %dma_start3A_773 = arith.constant 0 : i32
        %dma_start3A_774 = arith.constant 0 : i32
        %dma_start3A_775 = tpu.memref_slice %arg9[%dma_start3A_772, %dma_start3A_773, %dma_start3A_774] : memref<2x32x128xf32, #tpu.memory_space<vmem>> -> memref<1x32x128xf32, #tpu.memory_space<vmem>>
        %dma_start3A_776 = tpu.memref_squeeze %dma_start3A_775 : memref<1x32x128xf32, #tpu.memory_space<vmem>> -> memref<32x128xf32, #tpu.memory_space<vmem>>
        %dma_start3A_777 = arith.constant 0 : i32
        %dma_start3A_778 = tpu.memref_slice %arg2[%dma_start3A_777, %mul3A_771] : memref<32x1000000xf32, #tpu.memory_space<hbm>> -> memref<32x128xf32, #tpu.memory_space<hbm>>
        %dma_start3A_779 = arith.constant 0 : i32
        %dma_start3A_780 = arith.constant 0 : i32
        %dma_start3A_781 = tpu.memref_slice %arg9[%dma_start3A_772, %dma_start3A_779, %dma_start3A_780] : memref<2x32x128xf32, #tpu.memory_space<vmem>> -> memref<1x32x128xf32, #tpu.memory_space<vmem>>
        %dma_start3A_782 = tpu.memref_squeeze %dma_start3A_781 : memref<1x32x128xf32, #tpu.memory_space<vmem>> -> memref<32x128xf32, #tpu.memory_space<vmem>>
        %dma_start3A_783 = arith.constant 0 : i32
        %dma_start3A_784 = tpu.memref_slice %arg2[%dma_start3A_783, %mul3A_771] : memref<32x1000000xf32, #tpu.memory_space<hbm>> -> memref<32x128xf32, #tpu.memory_space<hbm>>
        tpu.enqueue_dma source(%dma_start3A_784 : memref<32x128xf32, #tpu.memory_space<hbm>>) target(%dma_start3A_782 : memref<32x128xf32, #tpu.memory_space<vmem>>) target_semaphore(%arg18 : memref<!tpu.dma_semaphore, #tpu.memory_space<semaphore_mem>>)
        %add3A_785 = arith.constant 1 : i32
        %add3A_786 = arith.addi %mul3A_763, %add3A_785 : i32
        %get3A_787 = arith.index_cast %add3A_786 : i32 to index
        %get3A_788 = memref.load %arg6[%get3A_787] : memref<512xi32, #tpu.memory_space<smem>>
        %shift_right_arithmetic3A_789 = arith.constant 7 : i32
        %shift_right_arithmetic3A_790 = arith.shrsi %get3A_788, %shift_right_arithmetic3A_789 : i32
        %mul3A_791 = arith.constant 128 : i32
        %mul3A_792 = arith.muli %shift_right_arithmetic3A_790, %mul3A_791 : i32
        %dma_start3A_793 = arith.constant 1 : i32
        %dma_start3A_794 = arith.constant 0 : i32
        %dma_start3A_795 = arith.constant 0 : i32
        %dma_start3A_796 = tpu.memref_slice %arg9[%dma_start3A_793, %dma_start3A_794, %dma_start3A_795] : memref<2x32x128xf32, #tpu.memory_space<vmem>> -> memref<1x32x128xf32, #tpu.memory_space<vmem>>
        %dma_start3A_797 = tpu.memref_squeeze %dma_start3A_796 : memref<1x32x128xf32, #tpu.memory_space<vmem>> -> memref<32x128xf32, #tpu.memory_space<vmem>>
        %dma_start3A_798 = arith.constant 0 : i32
        %dma_start3A_799 = tpu.memref_slice %arg2[%dma_start3A_798, %mul3A_792] : memref<32x1000000xf32, #tpu.memory_space<hbm>> -> memref<32x128xf32, #tpu.memory_space<hbm>>
        %dma_start3A_800 = arith.constant 0 : i32
        %dma_start3A_801 = arith.constant 0 : i32
        %dma_start3A_802 = tpu.memref_slice %arg9[%dma_start3A_793, %dma_start3A_800, %dma_start3A_801] : memref<2x32x128xf32, #tpu.memory_space<vmem>> -> memref<1x32x128xf32, #tpu.memory_space<vmem>>
        %dma_start3A_803 = tpu.memref_squeeze %dma_start3A_802 : memref<1x32x128xf32, #tpu.memory_space<vmem>> -> memref<32x128xf32, #tpu.memory_space<vmem>>
        %dma_start3A_804 = arith.constant 0 : i32
        %dma_start3A_805 = tpu.memref_slice %arg2[%dma_start3A_804, %mul3A_792] : memref<32x1000000xf32, #tpu.memory_space<hbm>> -> memref<32x128xf32, #tpu.memory_space<hbm>>
        tpu.enqueue_dma source(%dma_start3A_805 : memref<32x128xf32, #tpu.memory_space<hbm>>) target(%dma_start3A_803 : memref<32x128xf32, #tpu.memory_space<vmem>>) target_semaphore(%arg18 : memref<!tpu.dma_semaphore, #tpu.memory_space<semaphore_mem>>)
      } else {
      }
      %dma_wait3A_474 = arith.constant 0 : i32
      %dma_wait3A_475 = arith.constant 0 : i32
      %dma_wait3A_476 = tpu.memref_slice %arg2[%dma_wait3A_474, %dma_wait3A_475] : memref<32x1000000xf32, #tpu.memory_space<hbm>> -> memref<32x256xf32, #tpu.memory_space<hbm>>
      %dma_wait3A_477 = arith.constant 0 : i32
      %dma_wait3A_478 = arith.constant 0 : i32
      %dma_wait3A_479 = tpu.memref_slice %arg2[%dma_wait3A_477, %dma_wait3A_478] : memref<32x1000000xf32, #tpu.memory_space<hbm>> -> memref<32x256xf32, #tpu.memory_space<hbm>>
      tpu.wait_dma2 semaphore(%arg19 : memref<!tpu.dma_semaphore, #tpu.memory_space<semaphore_mem>>) src(%dma_wait3A_479 : memref<32x256xf32, #tpu.memory_space<hbm>>) dst(%arg10 : memref<2x32x128xf32, #tpu.memory_space<vmem>>)
      %mul3A_480 = arith.constant 2 : i32
      %mul3A_481 = arith.muli %add3A_464, %mul3A_480 : i32
      %add3A_482 = arith.constant 0 : i32
      %add3A_483 = arith.addi %mul3A_481, %add3A_482 : i32
      %get3A_484 = arith.index_cast %add3A_483 : i32 to index
      %get3A_485 = memref.load %arg6[%get3A_484] : memref<512xi32, #tpu.memory_space<smem>>
      %and3A_486 = arith.constant 127 : i32
      %and3A_487 = arith.andi %get3A_485, %and3A_486 : i32
      %broadcast_in_dim3A_488 = vector.broadcast %and3A_487 : i32 to vector<16xi32>
      %broadcast_in_dim3A_489 = arith.constant 0 : i32
      %broadcast_in_dim3A_490 = vector.broadcast %broadcast_in_dim3A_489 : i32 to vector<16xi32>
      %add3A_491 = arith.constant 0 : i32
      %add3A_492 = arith.addi %mul3A_481, %add3A_491 : i32
      %broadcast_in_dim3A_493 = vector.broadcast %add3A_492 : i32 to vector<16xi32>
      %gather3A_494 = tpu.vector_load_idx %arg10[%broadcast_in_dim3A_490, %iota3A, %broadcast_in_dim3A_488] : memref<2x32x128xf32, #tpu.memory_space<vmem>>[vector<16xi32>, vector<16xi32>, vector<16xi32>], vector<16xf32>,
      %add3A_495 = arith.constant 16 : i32
      %add3A_496 = vector.broadcast %add3A_495 : i32 to vector<16xi32>
      %add3A_497 = arith.addi %iota3A, %add3A_496 : vector<16xi32>
      %gather3A_498 = tpu.vector_load_idx %arg10[%broadcast_in_dim3A_490, %add3A_497, %broadcast_in_dim3A_488] : memref<2x32x128xf32, #tpu.memory_space<vmem>>[vector<16xi32>, vector<16xi32>, vector<16xi32>], vector<16xf32>,
      tpu.vector_store_idx %arg15[%iota3A, %broadcast_in_dim3A_493], %gather3A_494 : memref<32x512xf32, #tpu.memory_space<vmem>>[vector<16xi32>, vector<16xi32>], vector<16xf32>,
      %add3A_499 = arith.constant 16 : i32
      %add3A_500 = vector.broadcast %add3A_499 : i32 to vector<16xi32>
      %add3A_501 = arith.addi %iota3A, %add3A_500 : vector<16xi32>
      tpu.vector_store_idx %arg15[%add3A_501, %broadcast_in_dim3A_493], %gather3A_498 : memref<32x512xf32, #tpu.memory_space<vmem>>[vector<16xi32>, vector<16xi32>], vector<16xf32>,
      %add3A_502 = arith.constant 1 : i32
      %add3A_503 = arith.addi %mul3A_481, %add3A_502 : i32
      %get3A_504 = arith.index_cast %add3A_503 : i32 to index
      %get3A_505 = memref.load %arg6[%get3A_504] : memref<512xi32, #tpu.memory_space<smem>>
      %and3A_506 = arith.constant 127 : i32
      %and3A_507 = arith.andi %get3A_505, %and3A_506 : i32
      %broadcast_in_dim3A_508 = vector.broadcast %and3A_507 : i32 to vector<16xi32>
      %broadcast_in_dim3A_509 = arith.constant 1 : i32
      %broadcast_in_dim3A_510 = vector.broadcast %broadcast_in_dim3A_509 : i32 to vector<16xi32>
      %add3A_511 = arith.constant 1 : i32
      %add3A_512 = arith.addi %mul3A_481, %add3A_511 : i32
      %broadcast_in_dim3A_513 = vector.broadcast %add3A_512 : i32 to vector<16xi32>
      %gather3A_514 = tpu.vector_load_idx %arg10[%broadcast_in_dim3A_510, %iota3A, %broadcast_in_dim3A_508] : memref<2x32x128xf32, #tpu.memory_space<vmem>>[vector<16xi32>, vector<16xi32>, vector<16xi32>], vector<16xf32>,
      %add3A_515 = arith.constant 16 : i32
      %add3A_516 = vector.broadcast %add3A_515 : i32 to vector<16xi32>
      %add3A_517 = arith.addi %iota3A, %add3A_516 : vector<16xi32>
      %gather3A_518 = tpu.vector_load_idx %arg10[%broadcast_in_dim3A_510, %add3A_517, %broadcast_in_dim3A_508] : memref<2x32x128xf32, #tpu.memory_space<vmem>>[vector<16xi32>, vector<16xi32>, vector<16xi32>], vector<16xf32>,
      tpu.vector_store_idx %arg15[%iota3A, %broadcast_in_dim3A_513], %gather3A_514 : memref<32x512xf32, #tpu.memory_space<vmem>>[vector<16xi32>, vector<16xi32>], vector<16xf32>,
      %add3A_519 = arith.constant 16 : i32
      %add3A_520 = vector.broadcast %add3A_519 : i32 to vector<16xi32>
      %add3A_521 = arith.addi %iota3A, %add3A_520 : vector<16xi32>
      tpu.vector_store_idx %arg15[%add3A_521, %broadcast_in_dim3A_513], %gather3A_518 : memref<32x512xf32, #tpu.memory_space<vmem>>[vector<16xi32>, vector<16xi32>], vector<16xf32>,
      %add3A_522 = arith.constant 4 : i32
      %add3A_523 = arith.addi %add3A_293, %add3A_522 : i32
      %add3A_524 = arith.constant 8 : i32
      %add3A_525 = arith.addi %add3A_523, %add3A_524 : i32
      %sub3A_526 = arith.constant 1 : i32
      %sub3A_527 = arith.subi %add3A_525, %sub3A_526 : i32
      %lt3A_528 = arith.constant 256 : i32
      %lt3A_529 = arith.cmpi slt, %sub3A_527, %lt3A_528 : i32
      %convert_element_type3A_530 = arith.extui %lt3A_529 : i1 to i32
      %cond3A_531 = arith.constant 0 : i32
      %cond3A_532 = arith.cmpi ne, %convert_element_type3A_530, %cond3A_531 : i32
      scf.if %cond3A_532 {
        %add3A_758 = arith.constant 8 : i32
        %add3A_759 = arith.addi %add3A_523, %add3A_758 : i32
        %sub3A_760 = arith.constant 1 : i32
        %sub3A_761 = arith.subi %add3A_759, %sub3A_760 : i32
        %mul3A_762 = arith.constant 2 : i32
        %mul3A_763 = arith.muli %sub3A_761, %mul3A_762 : i32
        %add3A_764 = arith.constant 0 : i32
        %add3A_765 = arith.addi %mul3A_763, %add3A_764 : i32
        %get3A_766 = arith.index_cast %add3A_765 : i32 to index
        %get3A_767 = memref.load %arg6[%get3A_766] : memref<512xi32, #tpu.memory_space<smem>>
        %shift_right_arithmetic3A_768 = arith.constant 7 : i32
        %shift_right_arithmetic3A_769 = arith.shrsi %get3A_767, %shift_right_arithmetic3A_768 : i32
        %mul3A_770 = arith.constant 128 : i32
        %mul3A_771 = arith.muli %shift_right_arithmetic3A_769, %mul3A_770 : i32
        %dma_start3A_772 = arith.constant 0 : i32
        %dma_start3A_773 = arith.constant 0 : i32
        %dma_start3A_774 = arith.constant 0 : i32
        %dma_start3A_775 = tpu.memref_slice %arg10[%dma_start3A_772, %dma_start3A_773, %dma_start3A_774] : memref<2x32x128xf32, #tpu.memory_space<vmem>> -> memref<1x32x128xf32, #tpu.memory_space<vmem>>
        %dma_start3A_776 = tpu.memref_squeeze %dma_start3A_775 : memref<1x32x128xf32, #tpu.memory_space<vmem>> -> memref<32x128xf32, #tpu.memory_space<vmem>>
        %dma_start3A_777 = arith.constant 0 : i32
        %dma_start3A_778 = tpu.memref_slice %arg2[%dma_start3A_777, %mul3A_771] : memref<32x1000000xf32, #tpu.memory_space<hbm>> -> memref<32x128xf32, #tpu.memory_space<hbm>>
        %dma_start3A_779 = arith.constant 0 : i32
        %dma_start3A_780 = arith.constant 0 : i32
        %dma_start3A_781 = tpu.memref_slice %arg10[%dma_start3A_772, %dma_start3A_779, %dma_start3A_780] : memref<2x32x128xf32, #tpu.memory_space<vmem>> -> memref<1x32x128xf32, #tpu.memory_space<vmem>>
        %dma_start3A_782 = tpu.memref_squeeze %dma_start3A_781 : memref<1x32x128xf32, #tpu.memory_space<vmem>> -> memref<32x128xf32, #tpu.memory_space<vmem>>
        %dma_start3A_783 = arith.constant 0 : i32
        %dma_start3A_784 = tpu.memref_slice %arg2[%dma_start3A_783, %mul3A_771] : memref<32x1000000xf32, #tpu.memory_space<hbm>> -> memref<32x128xf32, #tpu.memory_space<hbm>>
        tpu.enqueue_dma source(%dma_start3A_784 : memref<32x128xf32, #tpu.memory_space<hbm>>) target(%dma_start3A_782 : memref<32x128xf32, #tpu.memory_space<vmem>>) target_semaphore(%arg19 : memref<!tpu.dma_semaphore, #tpu.memory_space<semaphore_mem>>)
        %add3A_785 = arith.constant 1 : i32
        %add3A_786 = arith.addi %mul3A_763, %add3A_785 : i32
        %get3A_787 = arith.index_cast %add3A_786 : i32 to index
        %get3A_788 = memref.load %arg6[%get3A_787] : memref<512xi32, #tpu.memory_space<smem>>
        %shift_right_arithmetic3A_789 = arith.constant 7 : i32
        %shift_right_arithmetic3A_790 = arith.shrsi %get3A_788, %shift_right_arithmetic3A_789 : i32
        %mul3A_791 = arith.constant 128 : i32
        %mul3A_792 = arith.muli %shift_right_arithmetic3A_790, %mul3A_791 : i32
        %dma_start3A_793 = arith.constant 1 : i32
        %dma_start3A_794 = arith.constant 0 : i32
        %dma_start3A_795 = arith.constant 0 : i32
        %dma_start3A_796 = tpu.memref_slice %arg10[%dma_start3A_793, %dma_start3A_794, %dma_start3A_795] : memref<2x32x128xf32, #tpu.memory_space<vmem>> -> memref<1x32x128xf32, #tpu.memory_space<vmem>>
        %dma_start3A_797 = tpu.memref_squeeze %dma_start3A_796 : memref<1x32x128xf32, #tpu.memory_space<vmem>> -> memref<32x128xf32, #tpu.memory_space<vmem>>
        %dma_start3A_798 = arith.constant 0 : i32
        %dma_start3A_799 = tpu.memref_slice %arg2[%dma_start3A_798, %mul3A_792] : memref<32x1000000xf32, #tpu.memory_space<hbm>> -> memref<32x128xf32, #tpu.memory_space<hbm>>
        %dma_start3A_800 = arith.constant 0 : i32
        %dma_start3A_801 = arith.constant 0 : i32
        %dma_start3A_802 = tpu.memref_slice %arg10[%dma_start3A_793, %dma_start3A_800, %dma_start3A_801] : memref<2x32x128xf32, #tpu.memory_space<vmem>> -> memref<1x32x128xf32, #tpu.memory_space<vmem>>
        %dma_start3A_803 = tpu.memref_squeeze %dma_start3A_802 : memref<1x32x128xf32, #tpu.memory_space<vmem>> -> memref<32x128xf32, #tpu.memory_space<vmem>>
        %dma_start3A_804 = arith.constant 0 : i32
        %dma_start3A_805 = tpu.memref_slice %arg2[%dma_start3A_804, %mul3A_792] : memref<32x1000000xf32, #tpu.memory_space<hbm>> -> memref<32x128xf32, #tpu.memory_space<hbm>>
        tpu.enqueue_dma source(%dma_start3A_805 : memref<32x128xf32, #tpu.memory_space<hbm>>) target(%dma_start3A_803 : memref<32x128xf32, #tpu.memory_space<vmem>>) target_semaphore(%arg19 : memref<!tpu.dma_semaphore, #tpu.memory_space<semaphore_mem>>)
      } else {
      }
      %dma_wait3A_533 = arith.constant 0 : i32
      %dma_wait3A_534 = arith.constant 0 : i32
      %dma_wait3A_535 = tpu.memref_slice %arg2[%dma_wait3A_533, %dma_wait3A_534] : memref<32x1000000xf32, #tpu.memory_space<hbm>> -> memref<32x256xf32, #tpu.memory_space<hbm>>
      %dma_wait3A_536 = arith.constant 0 : i32
      %dma_wait3A_537 = arith.constant 0 : i32
      %dma_wait3A_538 = tpu.memref_slice %arg2[%dma_wait3A_536, %dma_wait3A_537] : memref<32x1000000xf32, #tpu.memory_space<hbm>> -> memref<32x256xf32, #tpu.memory_space<hbm>>
      tpu.wait_dma2 semaphore(%arg20 : memref<!tpu.dma_semaphore, #tpu.memory_space<semaphore_mem>>) src(%dma_wait3A_538 : memref<32x256xf32, #tpu.memory_space<hbm>>) dst(%arg11 : memref<2x32x128xf32, #tpu.memory_space<vmem>>)
      %mul3A_539 = arith.constant 2 : i32
      %mul3A_540 = arith.muli %add3A_523, %mul3A_539 : i32
      %add3A_541 = arith.constant 0 : i32
      %add3A_542 = arith.addi %mul3A_540, %add3A_541 : i32
      %get3A_543 = arith.index_cast %add3A_542 : i32 to index
      %get3A_544 = memref.load %arg6[%get3A_543] : memref<512xi32, #tpu.memory_space<smem>>
      %and3A_545 = arith.constant 127 : i32
      %and3A_546 = arith.andi %get3A_544, %and3A_545 : i32
      %broadcast_in_dim3A_547 = vector.broadcast %and3A_546 : i32 to vector<16xi32>
      %broadcast_in_dim3A_548 = arith.constant 0 : i32
      %broadcast_in_dim3A_549 = vector.broadcast %broadcast_in_dim3A_548 : i32 to vector<16xi32>
      %add3A_550 = arith.constant 0 : i32
      %add3A_551 = arith.addi %mul3A_540, %add3A_550 : i32
      %broadcast_in_dim3A_552 = vector.broadcast %add3A_551 : i32 to vector<16xi32>
      %gather3A_553 = tpu.vector_load_idx %arg11[%broadcast_in_dim3A_549, %iota3A, %broadcast_in_dim3A_547] : memref<2x32x128xf32, #tpu.memory_space<vmem>>[vector<16xi32>, vector<16xi32>, vector<16xi32>], vector<16xf32>,
      %add3A_554 = arith.constant 16 : i32
      %add3A_555 = vector.broadcast %add3A_554 : i32 to vector<16xi32>
      %add3A_556 = arith.addi %iota3A, %add3A_555 : vector<16xi32>
      %gather3A_557 = tpu.vector_load_idx %arg11[%broadcast_in_dim3A_549, %add3A_556, %broadcast_in_dim3A_547] : memref<2x32x128xf32, #tpu.memory_space<vmem>>[vector<16xi32>, vector<16xi32>, vector<16xi32>], vector<16xf32>,
      tpu.vector_store_idx %arg15[%iota3A, %broadcast_in_dim3A_552], %gather3A_553 : memref<32x512xf32, #tpu.memory_space<vmem>>[vector<16xi32>, vector<16xi32>], vector<16xf32>,
      %add3A_558 = arith.constant 16 : i32
      %add3A_559 = vector.broadcast %add3A_558 : i32 to vector<16xi32>
      %add3A_560 = arith.addi %iota3A, %add3A_559 : vector<16xi32>
      tpu.vector_store_idx %arg15[%add3A_560, %broadcast_in_dim3A_552], %gather3A_557 : memref<32x512xf32, #tpu.memory_space<vmem>>[vector<16xi32>, vector<16xi32>], vector<16xf32>,
      %add3A_561 = arith.constant 1 : i32
      %add3A_562 = arith.addi %mul3A_540, %add3A_561 : i32
      %get3A_563 = arith.index_cast %add3A_562 : i32 to index
      %get3A_564 = memref.load %arg6[%get3A_563] : memref<512xi32, #tpu.memory_space<smem>>
      %and3A_565 = arith.constant 127 : i32
      %and3A_566 = arith.andi %get3A_564, %and3A_565 : i32
      %broadcast_in_dim3A_567 = vector.broadcast %and3A_566 : i32 to vector<16xi32>
      %broadcast_in_dim3A_568 = arith.constant 1 : i32
      %broadcast_in_dim3A_569 = vector.broadcast %broadcast_in_dim3A_568 : i32 to vector<16xi32>
      %add3A_570 = arith.constant 1 : i32
      %add3A_571 = arith.addi %mul3A_540, %add3A_570 : i32
      %broadcast_in_dim3A_572 = vector.broadcast %add3A_571 : i32 to vector<16xi32>
      %gather3A_573 = tpu.vector_load_idx %arg11[%broadcast_in_dim3A_569, %iota3A, %broadcast_in_dim3A_567] : memref<2x32x128xf32, #tpu.memory_space<vmem>>[vector<16xi32>, vector<16xi32>, vector<16xi32>], vector<16xf32>,
      %add3A_574 = arith.constant 16 : i32
      %add3A_575 = vector.broadcast %add3A_574 : i32 to vector<16xi32>
      %add3A_576 = arith.addi %iota3A, %add3A_575 : vector<16xi32>
      %gather3A_577 = tpu.vector_load_idx %arg11[%broadcast_in_dim3A_569, %add3A_576, %broadcast_in_dim3A_567] : memref<2x32x128xf32, #tpu.memory_space<vmem>>[vector<16xi32>, vector<16xi32>, vector<16xi32>], vector<16xf32>,
      tpu.vector_store_idx %arg15[%iota3A, %broadcast_in_dim3A_572], %gather3A_573 : memref<32x512xf32, #tpu.memory_space<vmem>>[vector<16xi32>, vector<16xi32>], vector<16xf32>,
      %add3A_578 = arith.constant 16 : i32
      %add3A_579 = vector.broadcast %add3A_578 : i32 to vector<16xi32>
      %add3A_580 = arith.addi %iota3A, %add3A_579 : vector<16xi32>
      tpu.vector_store_idx %arg15[%add3A_580, %broadcast_in_dim3A_572], %gather3A_577 : memref<32x512xf32, #tpu.memory_space<vmem>>[vector<16xi32>, vector<16xi32>], vector<16xf32>,
      %add3A_581 = arith.constant 5 : i32
      %add3A_582 = arith.addi %add3A_293, %add3A_581 : i32
      %add3A_583 = arith.constant 8 : i32
      %add3A_584 = arith.addi %add3A_582, %add3A_583 : i32
      %sub3A_585 = arith.constant 1 : i32
      %sub3A_586 = arith.subi %add3A_584, %sub3A_585 : i32
      %lt3A_587 = arith.constant 256 : i32
      %lt3A_588 = arith.cmpi slt, %sub3A_586, %lt3A_587 : i32
      %convert_element_type3A_589 = arith.extui %lt3A_588 : i1 to i32
      %cond3A_590 = arith.constant 0 : i32
      %cond3A_591 = arith.cmpi ne, %convert_element_type3A_589, %cond3A_590 : i32
      scf.if %cond3A_591 {
        %add3A_758 = arith.constant 8 : i32
        %add3A_759 = arith.addi %add3A_582, %add3A_758 : i32
        %sub3A_760 = arith.constant 1 : i32
        %sub3A_761 = arith.subi %add3A_759, %sub3A_760 : i32
        %mul3A_762 = arith.constant 2 : i32
        %mul3A_763 = arith.muli %sub3A_761, %mul3A_762 : i32
        %add3A_764 = arith.constant 0 : i32
        %add3A_765 = arith.addi %mul3A_763, %add3A_764 : i32
        %get3A_766 = arith.index_cast %add3A_765 : i32 to index
        %get3A_767 = memref.load %arg6[%get3A_766] : memref<512xi32, #tpu.memory_space<smem>>
        %shift_right_arithmetic3A_768 = arith.constant 7 : i32
        %shift_right_arithmetic3A_769 = arith.shrsi %get3A_767, %shift_right_arithmetic3A_768 : i32
        %mul3A_770 = arith.constant 128 : i32
        %mul3A_771 = arith.muli %shift_right_arithmetic3A_769, %mul3A_770 : i32
        %dma_start3A_772 = arith.constant 0 : i32
        %dma_start3A_773 = arith.constant 0 : i32
        %dma_start3A_774 = arith.constant 0 : i32
        %dma_start3A_775 = tpu.memref_slice %arg11[%dma_start3A_772, %dma_start3A_773, %dma_start3A_774] : memref<2x32x128xf32, #tpu.memory_space<vmem>> -> memref<1x32x128xf32, #tpu.memory_space<vmem>>
        %dma_start3A_776 = tpu.memref_squeeze %dma_start3A_775 : memref<1x32x128xf32, #tpu.memory_space<vmem>> -> memref<32x128xf32, #tpu.memory_space<vmem>>
        %dma_start3A_777 = arith.constant 0 : i32
        %dma_start3A_778 = tpu.memref_slice %arg2[%dma_start3A_777, %mul3A_771] : memref<32x1000000xf32, #tpu.memory_space<hbm>> -> memref<32x128xf32, #tpu.memory_space<hbm>>
        %dma_start3A_779 = arith.constant 0 : i32
        %dma_start3A_780 = arith.constant 0 : i32
        %dma_start3A_781 = tpu.memref_slice %arg11[%dma_start3A_772, %dma_start3A_779, %dma_start3A_780] : memref<2x32x128xf32, #tpu.memory_space<vmem>> -> memref<1x32x128xf32, #tpu.memory_space<vmem>>
        %dma_start3A_782 = tpu.memref_squeeze %dma_start3A_781 : memref<1x32x128xf32, #tpu.memory_space<vmem>> -> memref<32x128xf32, #tpu.memory_space<vmem>>
        %dma_start3A_783 = arith.constant 0 : i32
        %dma_start3A_784 = tpu.memref_slice %arg2[%dma_start3A_783, %mul3A_771] : memref<32x1000000xf32, #tpu.memory_space<hbm>> -> memref<32x128xf32, #tpu.memory_space<hbm>>
        tpu.enqueue_dma source(%dma_start3A_784 : memref<32x128xf32, #tpu.memory_space<hbm>>) target(%dma_start3A_782 : memref<32x128xf32, #tpu.memory_space<vmem>>) target_semaphore(%arg20 : memref<!tpu.dma_semaphore, #tpu.memory_space<semaphore_mem>>)
        %add3A_785 = arith.constant 1 : i32
        %add3A_786 = arith.addi %mul3A_763, %add3A_785 : i32
        %get3A_787 = arith.index_cast %add3A_786 : i32 to index
        %get3A_788 = memref.load %arg6[%get3A_787] : memref<512xi32, #tpu.memory_space<smem>>
        %shift_right_arithmetic3A_789 = arith.constant 7 : i32
        %shift_right_arithmetic3A_790 = arith.shrsi %get3A_788, %shift_right_arithmetic3A_789 : i32
        %mul3A_791 = arith.constant 128 : i32
        %mul3A_792 = arith.muli %shift_right_arithmetic3A_790, %mul3A_791 : i32
        %dma_start3A_793 = arith.constant 1 : i32
        %dma_start3A_794 = arith.constant 0 : i32
        %dma_start3A_795 = arith.constant 0 : i32
        %dma_start3A_796 = tpu.memref_slice %arg11[%dma_start3A_793, %dma_start3A_794, %dma_start3A_795] : memref<2x32x128xf32, #tpu.memory_space<vmem>> -> memref<1x32x128xf32, #tpu.memory_space<vmem>>
        %dma_start3A_797 = tpu.memref_squeeze %dma_start3A_796 : memref<1x32x128xf32, #tpu.memory_space<vmem>> -> memref<32x128xf32, #tpu.memory_space<vmem>>
        %dma_start3A_798 = arith.constant 0 : i32
        %dma_start3A_799 = tpu.memref_slice %arg2[%dma_start3A_798, %mul3A_792] : memref<32x1000000xf32, #tpu.memory_space<hbm>> -> memref<32x128xf32, #tpu.memory_space<hbm>>
        %dma_start3A_800 = arith.constant 0 : i32
        %dma_start3A_801 = arith.constant 0 : i32
        %dma_start3A_802 = tpu.memref_slice %arg11[%dma_start3A_793, %dma_start3A_800, %dma_start3A_801] : memref<2x32x128xf32, #tpu.memory_space<vmem>> -> memref<1x32x128xf32, #tpu.memory_space<vmem>>
        %dma_start3A_803 = tpu.memref_squeeze %dma_start3A_802 : memref<1x32x128xf32, #tpu.memory_space<vmem>> -> memref<32x128xf32, #tpu.memory_space<vmem>>
        %dma_start3A_804 = arith.constant 0 : i32
        %dma_start3A_805 = tpu.memref_slice %arg2[%dma_start3A_804, %mul3A_792] : memref<32x1000000xf32, #tpu.memory_space<hbm>> -> memref<32x128xf32, #tpu.memory_space<hbm>>
        tpu.enqueue_dma source(%dma_start3A_805 : memref<32x128xf32, #tpu.memory_space<hbm>>) target(%dma_start3A_803 : memref<32x128xf32, #tpu.memory_space<vmem>>) target_semaphore(%arg20 : memref<!tpu.dma_semaphore, #tpu.memory_space<semaphore_mem>>)
      } else {
      }
      %dma_wait3A_592 = arith.constant 0 : i32
      %dma_wait3A_593 = arith.constant 0 : i32
      %dma_wait3A_594 = tpu.memref_slice %arg2[%dma_wait3A_592, %dma_wait3A_593] : memref<32x1000000xf32, #tpu.memory_space<hbm>> -> memref<32x256xf32, #tpu.memory_space<hbm>>
      %dma_wait3A_595 = arith.constant 0 : i32
      %dma_wait3A_596 = arith.constant 0 : i32
      %dma_wait3A_597 = tpu.memref_slice %arg2[%dma_wait3A_595, %dma_wait3A_596] : memref<32x1000000xf32, #tpu.memory_space<hbm>> -> memref<32x256xf32, #tpu.memory_space<hbm>>
      tpu.wait_dma2 semaphore(%arg21 : memref<!tpu.dma_semaphore, #tpu.memory_space<semaphore_mem>>) src(%dma_wait3A_597 : memref<32x256xf32, #tpu.memory_space<hbm>>) dst(%arg12 : memref<2x32x128xf32, #tpu.memory_space<vmem>>)
      %mul3A_598 = arith.constant 2 : i32
      %mul3A_599 = arith.muli %add3A_582, %mul3A_598 : i32
      %add3A_600 = arith.constant 0 : i32
      %add3A_601 = arith.addi %mul3A_599, %add3A_600 : i32
      %get3A_602 = arith.index_cast %add3A_601 : i32 to index
      %get3A_603 = memref.load %arg6[%get3A_602] : memref<512xi32, #tpu.memory_space<smem>>
      %and3A_604 = arith.constant 127 : i32
      %and3A_605 = arith.andi %get3A_603, %and3A_604 : i32
      %broadcast_in_dim3A_606 = vector.broadcast %and3A_605 : i32 to vector<16xi32>
      %broadcast_in_dim3A_607 = arith.constant 0 : i32
      %broadcast_in_dim3A_608 = vector.broadcast %broadcast_in_dim3A_607 : i32 to vector<16xi32>
      %add3A_609 = arith.constant 0 : i32
      %add3A_610 = arith.addi %mul3A_599, %add3A_609 : i32
      %broadcast_in_dim3A_611 = vector.broadcast %add3A_610 : i32 to vector<16xi32>
      %gather3A_612 = tpu.vector_load_idx %arg12[%broadcast_in_dim3A_608, %iota3A, %broadcast_in_dim3A_606] : memref<2x32x128xf32, #tpu.memory_space<vmem>>[vector<16xi32>, vector<16xi32>, vector<16xi32>], vector<16xf32>,
      %add3A_613 = arith.constant 16 : i32
      %add3A_614 = vector.broadcast %add3A_613 : i32 to vector<16xi32>
      %add3A_615 = arith.addi %iota3A, %add3A_614 : vector<16xi32>
      %gather3A_616 = tpu.vector_load_idx %arg12[%broadcast_in_dim3A_608, %add3A_615, %broadcast_in_dim3A_606] : memref<2x32x128xf32, #tpu.memory_space<vmem>>[vector<16xi32>, vector<16xi32>, vector<16xi32>], vector<16xf32>,
      tpu.vector_store_idx %arg15[%iota3A, %broadcast_in_dim3A_611], %gather3A_612 : memref<32x512xf32, #tpu.memory_space<vmem>>[vector<16xi32>, vector<16xi32>], vector<16xf32>,
      %add3A_617 = arith.constant 16 : i32
      %add3A_618 = vector.broadcast %add3A_617 : i32 to vector<16xi32>
      %add3A_619 = arith.addi %iota3A, %add3A_618 : vector<16xi32>
      tpu.vector_store_idx %arg15[%add3A_619, %broadcast_in_dim3A_611], %gather3A_616 : memref<32x512xf32, #tpu.memory_space<vmem>>[vector<16xi32>, vector<16xi32>], vector<16xf32>,
      %add3A_620 = arith.constant 1 : i32
      %add3A_621 = arith.addi %mul3A_599, %add3A_620 : i32
      %get3A_622 = arith.index_cast %add3A_621 : i32 to index
      %get3A_623 = memref.load %arg6[%get3A_622] : memref<512xi32, #tpu.memory_space<smem>>
      %and3A_624 = arith.constant 127 : i32
      %and3A_625 = arith.andi %get3A_623, %and3A_624 : i32
      %broadcast_in_dim3A_626 = vector.broadcast %and3A_625 : i32 to vector<16xi32>
      %broadcast_in_dim3A_627 = arith.constant 1 : i32
      %broadcast_in_dim3A_628 = vector.broadcast %broadcast_in_dim3A_627 : i32 to vector<16xi32>
      %add3A_629 = arith.constant 1 : i32
      %add3A_630 = arith.addi %mul3A_599, %add3A_629 : i32
      %broadcast_in_dim3A_631 = vector.broadcast %add3A_630 : i32 to vector<16xi32>
      %gather3A_632 = tpu.vector_load_idx %arg12[%broadcast_in_dim3A_628, %iota3A, %broadcast_in_dim3A_626] : memref<2x32x128xf32, #tpu.memory_space<vmem>>[vector<16xi32>, vector<16xi32>, vector<16xi32>], vector<16xf32>,
      %add3A_633 = arith.constant 16 : i32
      %add3A_634 = vector.broadcast %add3A_633 : i32 to vector<16xi32>
      %add3A_635 = arith.addi %iota3A, %add3A_634 : vector<16xi32>
      %gather3A_636 = tpu.vector_load_idx %arg12[%broadcast_in_dim3A_628, %add3A_635, %broadcast_in_dim3A_626] : memref<2x32x128xf32, #tpu.memory_space<vmem>>[vector<16xi32>, vector<16xi32>, vector<16xi32>], vector<16xf32>,
      tpu.vector_store_idx %arg15[%iota3A, %broadcast_in_dim3A_631], %gather3A_632 : memref<32x512xf32, #tpu.memory_space<vmem>>[vector<16xi32>, vector<16xi32>], vector<16xf32>,
      %add3A_637 = arith.constant 16 : i32
      %add3A_638 = vector.broadcast %add3A_637 : i32 to vector<16xi32>
      %add3A_639 = arith.addi %iota3A, %add3A_638 : vector<16xi32>
      tpu.vector_store_idx %arg15[%add3A_639, %broadcast_in_dim3A_631], %gather3A_636 : memref<32x512xf32, #tpu.memory_space<vmem>>[vector<16xi32>, vector<16xi32>], vector<16xf32>,
      %add3A_640 = arith.constant 6 : i32
      %add3A_641 = arith.addi %add3A_293, %add3A_640 : i32
      %add3A_642 = arith.constant 8 : i32
      %add3A_643 = arith.addi %add3A_641, %add3A_642 : i32
      %sub3A_644 = arith.constant 1 : i32
      %sub3A_645 = arith.subi %add3A_643, %sub3A_644 : i32
      %lt3A_646 = arith.constant 256 : i32
      %lt3A_647 = arith.cmpi slt, %sub3A_645, %lt3A_646 : i32
      %convert_element_type3A_648 = arith.extui %lt3A_647 : i1 to i32
      %cond3A_649 = arith.constant 0 : i32
      %cond3A_650 = arith.cmpi ne, %convert_element_type3A_648, %cond3A_649 : i32
      scf.if %cond3A_650 {
        %add3A_758 = arith.constant 8 : i32
        %add3A_759 = arith.addi %add3A_641, %add3A_758 : i32
        %sub3A_760 = arith.constant 1 : i32
        %sub3A_761 = arith.subi %add3A_759, %sub3A_760 : i32
        %mul3A_762 = arith.constant 2 : i32
        %mul3A_763 = arith.muli %sub3A_761, %mul3A_762 : i32
        %add3A_764 = arith.constant 0 : i32
        %add3A_765 = arith.addi %mul3A_763, %add3A_764 : i32
        %get3A_766 = arith.index_cast %add3A_765 : i32 to index
        %get3A_767 = memref.load %arg6[%get3A_766] : memref<512xi32, #tpu.memory_space<smem>>
        %shift_right_arithmetic3A_768 = arith.constant 7 : i32
        %shift_right_arithmetic3A_769 = arith.shrsi %get3A_767, %shift_right_arithmetic3A_768 : i32
        %mul3A_770 = arith.constant 128 : i32
        %mul3A_771 = arith.muli %shift_right_arithmetic3A_769, %mul3A_770 : i32
        %dma_start3A_772 = arith.constant 0 : i32
        %dma_start3A_773 = arith.constant 0 : i32
        %dma_start3A_774 = arith.constant 0 : i32
        %dma_start3A_775 = tpu.memref_slice %arg12[%dma_start3A_772, %dma_start3A_773, %dma_start3A_774] : memref<2x32x128xf32, #tpu.memory_space<vmem>> -> memref<1x32x128xf32, #tpu.memory_space<vmem>>
        %dma_start3A_776 = tpu.memref_squeeze %dma_start3A_775 : memref<1x32x128xf32, #tpu.memory_space<vmem>> -> memref<32x128xf32, #tpu.memory_space<vmem>>
        %dma_start3A_777 = arith.constant 0 : i32
        %dma_start3A_778 = tpu.memref_slice %arg2[%dma_start3A_777, %mul3A_771] : memref<32x1000000xf32, #tpu.memory_space<hbm>> -> memref<32x128xf32, #tpu.memory_space<hbm>>
        %dma_start3A_779 = arith.constant 0 : i32
        %dma_start3A_780 = arith.constant 0 : i32
        %dma_start3A_781 = tpu.memref_slice %arg12[%dma_start3A_772, %dma_start3A_779, %dma_start3A_780] : memref<2x32x128xf32, #tpu.memory_space<vmem>> -> memref<1x32x128xf32, #tpu.memory_space<vmem>>
        %dma_start3A_782 = tpu.memref_squeeze %dma_start3A_781 : memref<1x32x128xf32, #tpu.memory_space<vmem>> -> memref<32x128xf32, #tpu.memory_space<vmem>>
        %dma_start3A_783 = arith.constant 0 : i32
        %dma_start3A_784 = tpu.memref_slice %arg2[%dma_start3A_783, %mul3A_771] : memref<32x1000000xf32, #tpu.memory_space<hbm>> -> memref<32x128xf32, #tpu.memory_space<hbm>>
        tpu.enqueue_dma source(%dma_start3A_784 : memref<32x128xf32, #tpu.memory_space<hbm>>) target(%dma_start3A_782 : memref<32x128xf32, #tpu.memory_space<vmem>>) target_semaphore(%arg21 : memref<!tpu.dma_semaphore, #tpu.memory_space<semaphore_mem>>)
        %add3A_785 = arith.constant 1 : i32
        %add3A_786 = arith.addi %mul3A_763, %add3A_785 : i32
        %get3A_787 = arith.index_cast %add3A_786 : i32 to index
        %get3A_788 = memref.load %arg6[%get3A_787] : memref<512xi32, #tpu.memory_space<smem>>
        %shift_right_arithmetic3A_789 = arith.constant 7 : i32
        %shift_right_arithmetic3A_790 = arith.shrsi %get3A_788, %shift_right_arithmetic3A_789 : i32
        %mul3A_791 = arith.constant 128 : i32
        %mul3A_792 = arith.muli %shift_right_arithmetic3A_790, %mul3A_791 : i32
        %dma_start3A_793 = arith.constant 1 : i32
        %dma_start3A_794 = arith.constant 0 : i32
        %dma_start3A_795 = arith.constant 0 : i32
        %dma_start3A_796 = tpu.memref_slice %arg12[%dma_start3A_793, %dma_start3A_794, %dma_start3A_795] : memref<2x32x128xf32, #tpu.memory_space<vmem>> -> memref<1x32x128xf32, #tpu.memory_space<vmem>>
        %dma_start3A_797 = tpu.memref_squeeze %dma_start3A_796 : memref<1x32x128xf32, #tpu.memory_space<vmem>> -> memref<32x128xf32, #tpu.memory_space<vmem>>
        %dma_start3A_798 = arith.constant 0 : i32
        %dma_start3A_799 = tpu.memref_slice %arg2[%dma_start3A_798, %mul3A_792] : memref<32x1000000xf32, #tpu.memory_space<hbm>> -> memref<32x128xf32, #tpu.memory_space<hbm>>
        %dma_start3A_800 = arith.constant 0 : i32
        %dma_start3A_801 = arith.constant 0 : i32
        %dma_start3A_802 = tpu.memref_slice %arg12[%dma_start3A_793, %dma_start3A_800, %dma_start3A_801] : memref<2x32x128xf32, #tpu.memory_space<vmem>> -> memref<1x32x128xf32, #tpu.memory_space<vmem>>
        %dma_start3A_803 = tpu.memref_squeeze %dma_start3A_802 : memref<1x32x128xf32, #tpu.memory_space<vmem>> -> memref<32x128xf32, #tpu.memory_space<vmem>>
        %dma_start3A_804 = arith.constant 0 : i32
        %dma_start3A_805 = tpu.memref_slice %arg2[%dma_start3A_804, %mul3A_792] : memref<32x1000000xf32, #tpu.memory_space<hbm>> -> memref<32x128xf32, #tpu.memory_space<hbm>>
        tpu.enqueue_dma source(%dma_start3A_805 : memref<32x128xf32, #tpu.memory_space<hbm>>) target(%dma_start3A_803 : memref<32x128xf32, #tpu.memory_space<vmem>>) target_semaphore(%arg21 : memref<!tpu.dma_semaphore, #tpu.memory_space<semaphore_mem>>)
      } else {
      }
      %dma_wait3A_651 = arith.constant 0 : i32
      %dma_wait3A_652 = arith.constant 0 : i32
      %dma_wait3A_653 = tpu.memref_slice %arg2[%dma_wait3A_651, %dma_wait3A_652] : memref<32x1000000xf32, #tpu.memory_space<hbm>> -> memref<32x256xf32, #tpu.memory_space<hbm>>
      %dma_wait3A_654 = arith.constant 0 : i32
      %dma_wait3A_655 = arith.constant 0 : i32
      %dma_wait3A_656 = tpu.memref_slice %arg2[%dma_wait3A_654, %dma_wait3A_655] : memref<32x1000000xf32, #tpu.memory_space<hbm>> -> memref<32x256xf32, #tpu.memory_space<hbm>>
      tpu.wait_dma2 semaphore(%arg22 : memref<!tpu.dma_semaphore, #tpu.memory_space<semaphore_mem>>) src(%dma_wait3A_656 : memref<32x256xf32, #tpu.memory_space<hbm>>) dst(%arg13 : memref<2x32x128xf32, #tpu.memory_space<vmem>>)
      %mul3A_657 = arith.constant 2 : i32
      %mul3A_658 = arith.muli %add3A_641, %mul3A_657 : i32
      %add3A_659 = arith.constant 0 : i32
      %add3A_660 = arith.addi %mul3A_658, %add3A_659 : i32
      %get3A_661 = arith.index_cast %add3A_660 : i32 to index
      %get3A_662 = memref.load %arg6[%get3A_661] : memref<512xi32, #tpu.memory_space<smem>>
      %and3A_663 = arith.constant 127 : i32
      %and3A_664 = arith.andi %get3A_662, %and3A_663 : i32
      %broadcast_in_dim3A_665 = vector.broadcast %and3A_664 : i32 to vector<16xi32>
      %broadcast_in_dim3A_666 = arith.constant 0 : i32
      %broadcast_in_dim3A_667 = vector.broadcast %broadcast_in_dim3A_666 : i32 to vector<16xi32>
      %add3A_668 = arith.constant 0 : i32
      %add3A_669 = arith.addi %mul3A_658, %add3A_668 : i32
      %broadcast_in_dim3A_670 = vector.broadcast %add3A_669 : i32 to vector<16xi32>
      %gather3A_671 = tpu.vector_load_idx %arg13[%broadcast_in_dim3A_667, %iota3A, %broadcast_in_dim3A_665] : memref<2x32x128xf32, #tpu.memory_space<vmem>>[vector<16xi32>, vector<16xi32>, vector<16xi32>], vector<16xf32>,
      %add3A_672 = arith.constant 16 : i32
      %add3A_673 = vector.broadcast %add3A_672 : i32 to vector<16xi32>
      %add3A_674 = arith.addi %iota3A, %add3A_673 : vector<16xi32>
      %gather3A_675 = tpu.vector_load_idx %arg13[%broadcast_in_dim3A_667, %add3A_674, %broadcast_in_dim3A_665] : memref<2x32x128xf32, #tpu.memory_space<vmem>>[vector<16xi32>, vector<16xi32>, vector<16xi32>], vector<16xf32>,
      tpu.vector_store_idx %arg15[%iota3A, %broadcast_in_dim3A_670], %gather3A_671 : memref<32x512xf32, #tpu.memory_space<vmem>>[vector<16xi32>, vector<16xi32>], vector<16xf32>,
      %add3A_676 = arith.constant 16 : i32
      %add3A_677 = vector.broadcast %add3A_676 : i32 to vector<16xi32>
      %add3A_678 = arith.addi %iota3A, %add3A_677 : vector<16xi32>
      tpu.vector_store_idx %arg15[%add3A_678, %broadcast_in_dim3A_670], %gather3A_675 : memref<32x512xf32, #tpu.memory_space<vmem>>[vector<16xi32>, vector<16xi32>], vector<16xf32>,
      %add3A_679 = arith.constant 1 : i32
      %add3A_680 = arith.addi %mul3A_658, %add3A_679 : i32
      %get3A_681 = arith.index_cast %add3A_680 : i32 to index
      %get3A_682 = memref.load %arg6[%get3A_681] : memref<512xi32, #tpu.memory_space<smem>>
      %and3A_683 = arith.constant 127 : i32
      %and3A_684 = arith.andi %get3A_682, %and3A_683 : i32
      %broadcast_in_dim3A_685 = vector.broadcast %and3A_684 : i32 to vector<16xi32>
      %broadcast_in_dim3A_686 = arith.constant 1 : i32
      %broadcast_in_dim3A_687 = vector.broadcast %broadcast_in_dim3A_686 : i32 to vector<16xi32>
      %add3A_688 = arith.constant 1 : i32
      %add3A_689 = arith.addi %mul3A_658, %add3A_688 : i32
      %broadcast_in_dim3A_690 = vector.broadcast %add3A_689 : i32 to vector<16xi32>
      %gather3A_691 = tpu.vector_load_idx %arg13[%broadcast_in_dim3A_687, %iota3A, %broadcast_in_dim3A_685] : memref<2x32x128xf32, #tpu.memory_space<vmem>>[vector<16xi32>, vector<16xi32>, vector<16xi32>], vector<16xf32>,
      %add3A_692 = arith.constant 16 : i32
      %add3A_693 = vector.broadcast %add3A_692 : i32 to vector<16xi32>
      %add3A_694 = arith.addi %iota3A, %add3A_693 : vector<16xi32>
      %gather3A_695 = tpu.vector_load_idx %arg13[%broadcast_in_dim3A_687, %add3A_694, %broadcast_in_dim3A_685] : memref<2x32x128xf32, #tpu.memory_space<vmem>>[vector<16xi32>, vector<16xi32>, vector<16xi32>], vector<16xf32>,
      tpu.vector_store_idx %arg15[%iota3A, %broadcast_in_dim3A_690], %gather3A_691 : memref<32x512xf32, #tpu.memory_space<vmem>>[vector<16xi32>, vector<16xi32>], vector<16xf32>,
      %add3A_696 = arith.constant 16 : i32
      %add3A_697 = vector.broadcast %add3A_696 : i32 to vector<16xi32>
      %add3A_698 = arith.addi %iota3A, %add3A_697 : vector<16xi32>
      tpu.vector_store_idx %arg15[%add3A_698, %broadcast_in_dim3A_690], %gather3A_695 : memref<32x512xf32, #tpu.memory_space<vmem>>[vector<16xi32>, vector<16xi32>], vector<16xf32>,
      %add3A_699 = arith.constant 7 : i32
      %add3A_700 = arith.addi %add3A_293, %add3A_699 : i32
      %add3A_701 = arith.constant 8 : i32
      %add3A_702 = arith.addi %add3A_700, %add3A_701 : i32
      %sub3A_703 = arith.constant 1 : i32
      %sub3A_704 = arith.subi %add3A_702, %sub3A_703 : i32
      %lt3A_705 = arith.constant 256 : i32
      %lt3A_706 = arith.cmpi slt, %sub3A_704, %lt3A_705 : i32
      %convert_element_type3A_707 = arith.extui %lt3A_706 : i1 to i32
      %cond3A_708 = arith.constant 0 : i32
      %cond3A_709 = arith.cmpi ne, %convert_element_type3A_707, %cond3A_708 : i32
      scf.if %cond3A_709 {
        %add3A_758 = arith.constant 8 : i32
        %add3A_759 = arith.addi %add3A_700, %add3A_758 : i32
        %sub3A_760 = arith.constant 1 : i32
        %sub3A_761 = arith.subi %add3A_759, %sub3A_760 : i32
        %mul3A_762 = arith.constant 2 : i32
        %mul3A_763 = arith.muli %sub3A_761, %mul3A_762 : i32
        %add3A_764 = arith.constant 0 : i32
        %add3A_765 = arith.addi %mul3A_763, %add3A_764 : i32
        %get3A_766 = arith.index_cast %add3A_765 : i32 to index
        %get3A_767 = memref.load %arg6[%get3A_766] : memref<512xi32, #tpu.memory_space<smem>>
        %shift_right_arithmetic3A_768 = arith.constant 7 : i32
        %shift_right_arithmetic3A_769 = arith.shrsi %get3A_767, %shift_right_arithmetic3A_768 : i32
        %mul3A_770 = arith.constant 128 : i32
        %mul3A_771 = arith.muli %shift_right_arithmetic3A_769, %mul3A_770 : i32
        %dma_start3A_772 = arith.constant 0 : i32
        %dma_start3A_773 = arith.constant 0 : i32
        %dma_start3A_774 = arith.constant 0 : i32
        %dma_start3A_775 = tpu.memref_slice %arg13[%dma_start3A_772, %dma_start3A_773, %dma_start3A_774] : memref<2x32x128xf32, #tpu.memory_space<vmem>> -> memref<1x32x128xf32, #tpu.memory_space<vmem>>
        %dma_start3A_776 = tpu.memref_squeeze %dma_start3A_775 : memref<1x32x128xf32, #tpu.memory_space<vmem>> -> memref<32x128xf32, #tpu.memory_space<vmem>>
        %dma_start3A_777 = arith.constant 0 : i32
        %dma_start3A_778 = tpu.memref_slice %arg2[%dma_start3A_777, %mul3A_771] : memref<32x1000000xf32, #tpu.memory_space<hbm>> -> memref<32x128xf32, #tpu.memory_space<hbm>>
        %dma_start3A_779 = arith.constant 0 : i32
        %dma_start3A_780 = arith.constant 0 : i32
        %dma_start3A_781 = tpu.memref_slice %arg13[%dma_start3A_772, %dma_start3A_779, %dma_start3A_780] : memref<2x32x128xf32, #tpu.memory_space<vmem>> -> memref<1x32x128xf32, #tpu.memory_space<vmem>>
        %dma_start3A_782 = tpu.memref_squeeze %dma_start3A_781 : memref<1x32x128xf32, #tpu.memory_space<vmem>> -> memref<32x128xf32, #tpu.memory_space<vmem>>
        %dma_start3A_783 = arith.constant 0 : i32
        %dma_start3A_784 = tpu.memref_slice %arg2[%dma_start3A_783, %mul3A_771] : memref<32x1000000xf32, #tpu.memory_space<hbm>> -> memref<32x128xf32, #tpu.memory_space<hbm>>
        tpu.enqueue_dma source(%dma_start3A_784 : memref<32x128xf32, #tpu.memory_space<hbm>>) target(%dma_start3A_782 : memref<32x128xf32, #tpu.memory_space<vmem>>) target_semaphore(%arg22 : memref<!tpu.dma_semaphore, #tpu.memory_space<semaphore_mem>>)
        %add3A_785 = arith.constant 1 : i32
        %add3A_786 = arith.addi %mul3A_763, %add3A_785 : i32
        %get3A_787 = arith.index_cast %add3A_786 : i32 to index
        %get3A_788 = memref.load %arg6[%get3A_787] : memref<512xi32, #tpu.memory_space<smem>>
        %shift_right_arithmetic3A_789 = arith.constant 7 : i32
        %shift_right_arithmetic3A_790 = arith.shrsi %get3A_788, %shift_right_arithmetic3A_789 : i32
        %mul3A_791 = arith.constant 128 : i32
        %mul3A_792 = arith.muli %shift_right_arithmetic3A_790, %mul3A_791 : i32
        %dma_start3A_793 = arith.constant 1 : i32
        %dma_start3A_794 = arith.constant 0 : i32
        %dma_start3A_795 = arith.constant 0 : i32
        %dma_start3A_796 = tpu.memref_slice %arg13[%dma_start3A_793, %dma_start3A_794, %dma_start3A_795] : memref<2x32x128xf32, #tpu.memory_space<vmem>> -> memref<1x32x128xf32, #tpu.memory_space<vmem>>
        %dma_start3A_797 = tpu.memref_squeeze %dma_start3A_796 : memref<1x32x128xf32, #tpu.memory_space<vmem>> -> memref<32x128xf32, #tpu.memory_space<vmem>>
        %dma_start3A_798 = arith.constant 0 : i32
        %dma_start3A_799 = tpu.memref_slice %arg2[%dma_start3A_798, %mul3A_792] : memref<32x1000000xf32, #tpu.memory_space<hbm>> -> memref<32x128xf32, #tpu.memory_space<hbm>>
        %dma_start3A_800 = arith.constant 0 : i32
        %dma_start3A_801 = arith.constant 0 : i32
        %dma_start3A_802 = tpu.memref_slice %arg13[%dma_start3A_793, %dma_start3A_800, %dma_start3A_801] : memref<2x32x128xf32, #tpu.memory_space<vmem>> -> memref<1x32x128xf32, #tpu.memory_space<vmem>>
        %dma_start3A_803 = tpu.memref_squeeze %dma_start3A_802 : memref<1x32x128xf32, #tpu.memory_space<vmem>> -> memref<32x128xf32, #tpu.memory_space<vmem>>
        %dma_start3A_804 = arith.constant 0 : i32
        %dma_start3A_805 = tpu.memref_slice %arg2[%dma_start3A_804, %mul3A_792] : memref<32x1000000xf32, #tpu.memory_space<hbm>> -> memref<32x128xf32, #tpu.memory_space<hbm>>
        tpu.enqueue_dma source(%dma_start3A_805 : memref<32x128xf32, #tpu.memory_space<hbm>>) target(%dma_start3A_803 : memref<32x128xf32, #tpu.memory_space<vmem>>) target_semaphore(%arg22 : memref<!tpu.dma_semaphore, #tpu.memory_space<semaphore_mem>>)
      } else {
      }
      %dma_wait3A_710 = arith.constant 0 : i32
      %dma_wait3A_711 = arith.constant 0 : i32
      %dma_wait3A_712 = tpu.memref_slice %arg2[%dma_wait3A_710, %dma_wait3A_711] : memref<32x1000000xf32, #tpu.memory_space<hbm>> -> memref<32x256xf32, #tpu.memory_space<hbm>>
      %dma_wait3A_713 = arith.constant 0 : i32
      %dma_wait3A_714 = arith.constant 0 : i32
      %dma_wait3A_715 = tpu.memref_slice %arg2[%dma_wait3A_713, %dma_wait3A_714] : memref<32x1000000xf32, #tpu.memory_space<hbm>> -> memref<32x256xf32, #tpu.memory_space<hbm>>
      tpu.wait_dma2 semaphore(%arg23 : memref<!tpu.dma_semaphore, #tpu.memory_space<semaphore_mem>>) src(%dma_wait3A_715 : memref<32x256xf32, #tpu.memory_space<hbm>>) dst(%arg14 : memref<2x32x128xf32, #tpu.memory_space<vmem>>)
      %mul3A_716 = arith.constant 2 : i32
      %mul3A_717 = arith.muli %add3A_700, %mul3A_716 : i32
      %add3A_718 = arith.constant 0 : i32
      %add3A_719 = arith.addi %mul3A_717, %add3A_718 : i32
      %get3A_720 = arith.index_cast %add3A_719 : i32 to index
      %get3A_721 = memref.load %arg6[%get3A_720] : memref<512xi32, #tpu.memory_space<smem>>
      %and3A_722 = arith.constant 127 : i32
      %and3A_723 = arith.andi %get3A_721, %and3A_722 : i32
      %broadcast_in_dim3A_724 = vector.broadcast %and3A_723 : i32 to vector<16xi32>
      %broadcast_in_dim3A_725 = arith.constant 0 : i32
      %broadcast_in_dim3A_726 = vector.broadcast %broadcast_in_dim3A_725 : i32 to vector<16xi32>
      %add3A_727 = arith.constant 0 : i32
      %add3A_728 = arith.addi %mul3A_717, %add3A_727 : i32
      %broadcast_in_dim3A_729 = vector.broadcast %add3A_728 : i32 to vector<16xi32>
      %gather3A_730 = tpu.vector_load_idx %arg14[%broadcast_in_dim3A_726, %iota3A, %broadcast_in_dim3A_724] : memref<2x32x128xf32, #tpu.memory_space<vmem>>[vector<16xi32>, vector<16xi32>, vector<16xi32>], vector<16xf32>,
      %add3A_731 = arith.constant 16 : i32
      %add3A_732 = vector.broadcast %add3A_731 : i32 to vector<16xi32>
      %add3A_733 = arith.addi %iota3A, %add3A_732 : vector<16xi32>
      %gather3A_734 = tpu.vector_load_idx %arg14[%broadcast_in_dim3A_726, %add3A_733, %broadcast_in_dim3A_724] : memref<2x32x128xf32, #tpu.memory_space<vmem>>[vector<16xi32>, vector<16xi32>, vector<16xi32>], vector<16xf32>,
      tpu.vector_store_idx %arg15[%iota3A, %broadcast_in_dim3A_729], %gather3A_730 : memref<32x512xf32, #tpu.memory_space<vmem>>[vector<16xi32>, vector<16xi32>], vector<16xf32>,
      %add3A_735 = arith.constant 16 : i32
      %add3A_736 = vector.broadcast %add3A_735 : i32 to vector<16xi32>
      %add3A_737 = arith.addi %iota3A, %add3A_736 : vector<16xi32>
      tpu.vector_store_idx %arg15[%add3A_737, %broadcast_in_dim3A_729], %gather3A_734 : memref<32x512xf32, #tpu.memory_space<vmem>>[vector<16xi32>, vector<16xi32>], vector<16xf32>,
      %add3A_738 = arith.constant 1 : i32
      %add3A_739 = arith.addi %mul3A_717, %add3A_738 : i32
      %get3A_740 = arith.index_cast %add3A_739 : i32 to index
      %get3A_741 = memref.load %arg6[%get3A_740] : memref<512xi32, #tpu.memory_space<smem>>
      %and3A_742 = arith.constant 127 : i32
      %and3A_743 = arith.andi %get3A_741, %and3A_742 : i32
      %broadcast_in_dim3A_744 = vector.broadcast %and3A_743 : i32 to vector<16xi32>
      %broadcast_in_dim3A_745 = arith.constant 1 : i32
      %broadcast_in_dim3A_746 = vector.broadcast %broadcast_in_dim3A_745 : i32 to vector<16xi32>
      %add3A_747 = arith.constant 1 : i32
      %add3A_748 = arith.addi %mul3A_717, %add3A_747 : i32
      %broadcast_in_dim3A_749 = vector.broadcast %add3A_748 : i32 to vector<16xi32>
      %gather3A_750 = tpu.vector_load_idx %arg14[%broadcast_in_dim3A_746, %iota3A, %broadcast_in_dim3A_744] : memref<2x32x128xf32, #tpu.memory_space<vmem>>[vector<16xi32>, vector<16xi32>, vector<16xi32>], vector<16xf32>,
      %add3A_751 = arith.constant 16 : i32
      %add3A_752 = vector.broadcast %add3A_751 : i32 to vector<16xi32>
      %add3A_753 = arith.addi %iota3A, %add3A_752 : vector<16xi32>
      %gather3A_754 = tpu.vector_load_idx %arg14[%broadcast_in_dim3A_746, %add3A_753, %broadcast_in_dim3A_744] : memref<2x32x128xf32, #tpu.memory_space<vmem>>[vector<16xi32>, vector<16xi32>, vector<16xi32>], vector<16xf32>,
      tpu.vector_store_idx %arg15[%iota3A, %broadcast_in_dim3A_749], %gather3A_750 : memref<32x512xf32, #tpu.memory_space<vmem>>[vector<16xi32>, vector<16xi32>], vector<16xf32>,
      %add3A_755 = arith.constant 16 : i32
      %add3A_756 = vector.broadcast %add3A_755 : i32 to vector<16xi32>
      %add3A_757 = arith.addi %iota3A, %add3A_756 : vector<16xi32>
      tpu.vector_store_idx %arg15[%add3A_757, %broadcast_in_dim3A_749], %gather3A_754 : memref<32x512xf32, #tpu.memory_space<vmem>>[vector<16xi32>, vector<16xi32>], vector<16xf32>,
    }
    %scan3A_288 = arith.constant 32 : i32
    "tpu.region"() ({
      %run_scoped3A = tpu.sem_alloc : memref<!tpu.dma_semaphore, #tpu.memory_space<semaphore_mem>>
      %dma_start3A_289 = arith.constant 0 : i32
      %dma_start3A_290 = tpu.memref_slice %arg4[%dma_start3A_289, %mul3A_2] : memref<32x16384xf32, #tpu.memory_space<hbm>> -> memref<32x512xf32, #tpu.memory_space<hbm>>
      %dma_start3A_291 = arith.constant 0 : i32
      %dma_start3A_292 = tpu.memref_slice %arg4[%dma_start3A_291, %mul3A_2] : memref<32x16384xf32, #tpu.memory_space<hbm>> -> memref<32x512xf32, #tpu.memory_space<hbm>>
      tpu.enqueue_dma source(%arg15 : memref<32x512xf32, #tpu.memory_space<vmem>>) target(%dma_start3A_292 : memref<32x512xf32, #tpu.memory_space<hbm>>) target_semaphore(%run_scoped3A : memref<!tpu.dma_semaphore, #tpu.memory_space<semaphore_mem>>)
      %dma_wait3A = arith.constant 0 : i32
      %dma_wait3A_293 = tpu.memref_slice %arg4[%dma_wait3A, %mul3A_2] : memref<32x16384xf32, #tpu.memory_space<hbm>> -> memref<32x512xf32, #tpu.memory_space<hbm>>
      %dma_wait3A_294 = arith.constant 0 : i32
      %dma_wait3A_295 = tpu.memref_slice %arg4[%dma_wait3A_294, %mul3A_2] : memref<32x16384xf32, #tpu.memory_space<hbm>> -> memref<32x512xf32, #tpu.memory_space<hbm>>
      tpu.wait_dma2 semaphore(%run_scoped3A : memref<!tpu.dma_semaphore, #tpu.memory_space<semaphore_mem>>) src(%arg15 : memref<32x512xf32, #tpu.memory_space<vmem>>) dst(%dma_wait3A_295 : memref<32x512xf32, #tpu.memory_space<hbm>>)
      tpu.yield
    }) : () -> ()
    return
  }
}

</mosaic_0001>

<sc_bundles>
// kernel: kernel.3.cloned.1.call-start
scs
__scs_entry_jumppad:
0x0: {  	(pc) =	sbr.rel $0x88, $3  }
0x1: {  	(tag) =	ssettag $0x0;
	lr =	simm.s32 $0x1  }
0x2: {  	[smem:$0x3F9F] =	sst lr;
	_ =	strace $0xD0000000  }
0x3: {  	_ = 	snop  }
0x4: {  	_ = 	snop  }
0x5: {  	_ = 	snop  }
0x6: {  	_ = 	snop  }
0x7: {  	_ = 	snop  }
__scs_overlays_trampoline_lowered:
0x8: {  	[smem:$0x3FAE] =	sst s0  }
0x9: {  	[smem:$0x3FAF] =	sst s1  }
0xa: {  	[smem:$0x3FB0] =	sst s2  }
0xb: {  	[smem:$0x3FB1] =	sst s3  }
0xc: {  	[smem:$0x3FB2] =	sst s4  }
0xd: {  	[smem:$0x3FB3] =	sst s5  }
0xe: {  	[smem:$0x3FB4] =	sst s6  }
0xf: {  	[smem:$0x3FB5] =	sst s7  }
0x10: {  	[smem:$0x3FB6] =	sst s8  }
0x11: {  	[smem:$0x3FB7] =	sst s9;
	s0 =	simm.s32 @!p0 $0x0  }
0x12: {  	s1 =	sld [smem:$0x3F9D];
	s0 =	simm.s32 @p0 $0x1  }
0x13: {  	[smem:$0x3FB8] =	sst s0;
	s0 =	simm.s32 @!p1 $0x0  }
0x14: {  	s2 =	sld [smem:$0x3F9C];
	s0 =	simm.s32 @p1 $0x1  }
0x15: {  	[smem:$0x3FB9] =	sst s0;
	s0 =	simm.s32 @!p2 $0x0  }
0x16: {  	s3 =	sld [smem:$0x3FDB];
	s0 =	simm.s32 @p2 $0x1  }
0x17: {  	s4 =	simm.s32 $0x1BF5;
	[smem:$0x3FBB] =	sst s0  }
0x18: {  	s0 =	sld [smem:$0x3F9E];
	_ =	swait.ge [sflag:s4], $0x0  }
0x19: {  	s7 =	sld [smem:$0x3F9F]  }
0x1a: {  	s8 =	sadd.s32 $0xFFFFE003, lr  }
0x1b: {  	s9 =	sadd.s32 $0xFFFFFEF7, lr;
	s5 =	simm.s32 $0xFFFFFFFF;
	p2 =	slt.u32 s8, $0xFFFFF086  }
0x1c: {  	p1 =	slt.u32 s9, $0xF7A;
	s5 =	simm.s32 @!p2 $0x0  }
0x1d: {  	s5 =	simm.s32 @p1 $0x1;
	p0 =	seq.s32 s7, s2  }
0x1e: {  	s7 =	smul.u32 @!p0 $0xF7A, s2;
	p2 =	seq.s32 @!p0 s5, $0x0  }
0x1f: {  	s9 =	smul.u32 $0xF7A, s1;
	s8 =	simm.s32 @!p0 $0x1BF5;
	p2 =	por !p2, p0  }
0x20: {  	[sflag:s8] =	ssyncset.s32 @!p0 $0xFFFFF086;
	s6 =	sadd.s32 @!p0 s3, s7;
	s7 =	simm.s32 @!p0 $0x108  }
0x21: {  	s3 =	sadd.s32 s3, s9;
	s6 =	sadd.s32 @!p0 $0x88, s6;
	s7 =	simm.s32 @p2 $0x1082  }
0x22: {  	[simem:s7], [sflag:s8] =	dma.local @!p0 [hbm:s6], $0xF7A  }
0x23: {  	s9 =	sor.u32 $0xD0000000, s2;
	s6 =	simm.s32 $0x108;
	_ =	swait.ge @!p0 [sflag:s8], $0x0  }
0x24: {  	s3 =	sadd.s32 $0x88, s3;
	s6 =	simm.s32 @!p1 $0x1082;
	[sflag:s4] =	ssyncset.s32 $0xFFFFF086  }
0x25: {  	[simem:s6], [sflag:s4] =	dma.local [hbm:s3], $0xF7A  }
0x26: {  	[smem:$0x3F9F] =	sst s1;
	(tag) =	ssettag s2;
	_ =	strace s9  }
0x27: {  	s1 =	sld [smem:$0x3FAF]  }
0x28: {  	s2 =	sld [smem:$0x3FB0]  }
0x29: {  	s4 =	sld [smem:$0x3FB2]  }
0x2a: {  	p0 =	seq.s32 s5, $0x0;
	s5 =	sld [smem:$0x3FB3]  }
0x2b: {  	s6 =	sld [smem:$0x3FB4]  }
0x2c: {  	s7 =	sld [smem:$0x3FB5]  }
0x2d: {  	s3 =	simm.s32 $0x108;
	s8 =	sld [smem:$0x3FB6]  }
0x2e: {  	s3 =	simm.s32 @!p0 $0x1082;
	s9 =	sld [smem:$0x3FB7]  }
0x2f: {  	lr =	sadd.s32 s0, s3;
	s0 =	sld [smem:$0x3FAE]  }
0x30: {  	s3 =	sld [smem:$0x3FB1]  }
0x31: {  	[smem:$0x3FBA] =	sst s10  }
0x32: {  	s10 =	sld [smem:$0x3FB8];
	_ =	sdelay $0x3  }
0x33: {  	p0 =	seq.s32 s10, $0x1;
	s10 =	sld [smem:$0x3FBA];
	_ =	sdelay $0x3  }
0x34: {  	[smem:$0x3FBA] =	sst s10  }
0x35: {  	s10 =	sld [smem:$0x3FB9];
	_ =	sdelay $0x3  }
0x36: {  	p1 =	seq.s32 s10, $0x1;
	s10 =	sld [smem:$0x3FBA];
	_ =	sdelay $0x3  }
0x37: {  	[smem:$0x3FBA] =	sst s10  }
0x38: {  	s10 =	sld [smem:$0x3FBB]  }
0x39: {  	_ = 	snop;
	(pc) =	sbr.ind lr, $3  }
0x3a: {  	_ = 	snop  }
0x3b: {  	_ = 	snop  }
0x3c: {  	p2 =	seq.s32 s10, $0x1;
	s10 =	sld [smem:$0x3FBA]  }
0x3d: {  	_ =	shalt  }
0x3e: {  	_ =	shalt  }
0x3f: {  	_ =	shalt  }
0x40: {  	_ =	shalt  }
0x41: {  	_ =	shalt  }
0x42: {  	_ =	shalt  }
0x43: {  	_ =	shalt  }
0x44: {  	_ =	shalt  }
0x45: {  	_ =	shalt  }
0x46: {  	_ =	shalt  }
0x47: {  	_ =	shalt  }
0x48: {  	_ =	shalt  }
0x49: {  	_ =	shalt  }
0x4a: {  	_ =	shalt  }
0x4b: {  	_ =	shalt  }
0x4c: {  	_ =	shalt  }
0x4d: {  	_ =	shalt  }
0x4e: {  	_ =	shalt  }
0x4f: {  	_ =	shalt  }
0x50: {  	_ =	shalt  }
0x51: {  	_ =	shalt  }
0x52: {  	_ =	shalt  }
0x53: {  	_ =	shalt  }
0x54: {  	_ =	shalt  }
0x55: {  	_ =	shalt  }
0x56: {  	_ =	shalt  }
0x57: {  	_ =	shalt  }
0x58: {  	_ =	shalt  }
0x59: {  	_ =	shalt  }
0x5a: {  	_ =	shalt  }
0x5b: {  	_ =	shalt  }
0x5c: {  	_ =	shalt  }
0x5d: {  	_ =	shalt  }
0x5e: {  	_ =	shalt  }
0x5f: {  	_ =	shalt  }
0x60: {  	_ =	shalt  }
0x61: {  	_ =	shalt  }
0x62: {  	_ =	shalt  }
0x63: {  	_ =	shalt  }
0x64: {  	_ =	shalt  }
0x65: {  	_ =	shalt  }
0x66: {  	_ =	shalt  }
0x67: {  	_ =	shalt  }
0x68: {  	_ =	shalt  }
0x69: {  	_ =	shalt  }
0x6a: {  	_ =	shalt  }
0x6b: {  	_ =	shalt  }
0x6c: {  	_ =	shalt  }
0x6d: {  	_ =	shalt  }
0x6e: {  	_ =	shalt  }
0x6f: {  	_ =	shalt  }
0x70: {  	_ =	shalt  }
0x71: {  	_ =	shalt  }
0x72: {  	_ =	shalt  }
0x73: {  	_ =	shalt  }
0x74: {  	_ =	shalt  }
0x75: {  	_ =	shalt  }
0x76: {  	_ =	shalt  }
0x77: {  	_ =	shalt  }
0x78: {  	_ =	shalt  }
0x79: {  	_ =	shalt  }
0x7a: {  	_ =	shalt  }
0x7b: {  	_ =	shalt  }
0x7c: {  	_ =	shalt  }
0x7d: {  	_ =	shalt  }
0x7e: {  	_ =	shalt  }
0x7f: {  	_ =	shalt  }
0x80: {  	_ =	shalt  }
0x81: {  	_ =	shalt  }
0x82: {  	_ =	shalt  }
0x83: {  	_ =	shalt  }
0x84: {  	_ =	shalt  }
0x85: {  	_ =	shalt  }
0x86: {  	_ =	shalt  }
0x87: {  	_ =	shalt  }
.Lfunc_end0:
.L_simem_size_0:
called_computation_lowered:
.L_overlay_start_0:
0x88: {  	s2 =	sld [smem:$0x3FD9]  }
0x89: {  	s3 =	sld [smem:$0x3FFE];
	_ =	sdelay $0x1  }
0x8a: {  	s1 =	srdreg.scid  }
0x8b: {  	s0 =	sand.u32 $0x1, s1  }
0x8c: {  	s18 =	sshll.u32 s0, $0xA;
	s2 =	sadd.s32 s3, s2  }
0x8d: {  	s2 =	sadd.s32 s2, s18  }
0x8e: {  	[smem:$0x3FC6] =	sst s2  }
0x8f: {  	_ = 	snop  }
0x90: {  	s2 =	sld [smem:$0x3FC9]  }
0x91: {  	s19 =	sld [smem:$0x3FC8]  }
0x92: {  	s4 =	sld [smem:$0x3FD0];
	(tm) =	ssettm $0x1  }
0x93: {  	s5 =	sld [smem:$0x3FFB];
	_ =	sdelay $0x3  }
0x94: {  	_ =	strace s5  }
0x95: {  	s5 =	sld [smem:$0x3FFC];
	_ =	sdelay $0x3  }
0x96: {  	_ =	strace s5  }
0x97: {  	s5 =	sld [smem:$0x3FFD];
	_ =	sdelay $0x3  }
0x98: {  	_ =	strace s5  }
0x99: {  	_ =	strace $0x8FFFFFFF  }
0x9a: {  	s20 =	sld [smem:$0x3FDB];
	_ =	sdelay $0x1  }
0x9b: {  	s6 =	simm.s32 $_scs_section_size  }
0x9c: {  	s7 =	simm.s32 $_size__tile_overlayer_lowered;
	s8 =	simm.s32 $_tile_overlayer_lowered  }
0x9d: {  	s23 =	simm.s32 $0x1BFF;
	s22 =	sshll.u32 s8, $0x1;
	s5 =	sadd.s32 s6, s20  }
0x9e: {  	s9 =	simm.s32 $0x0;
	s21 =	sshll.u32 s7, $0x1;
	s7 =	sadd.s32 s22, s5  }
0x9f: {  	[timem:s9], [sflag:s23] =	dma.local [hbm:s7], s21  }
0xa0: {  	_ =	swait.ge [sflag:s23], s21  }
0xa1: {  	s6 =	ssub.s32 $0x0, s21;
	[sflag:s23] =	ssyncset.done $0x0  }
0xa2: {  	[sflag:s23] =	ssyncadd.s32 s6;
	_ =	sdelay $0x1  }
0xa3: {  	s24 =	simm.s32 $0x1B8B  }
0xa4: {  	_ =	swait.ge [sflag:s24], $0x1  }
0xa5: {  	[sflag:s24] =	ssyncset.done $0x0  }
0xa6: {  	s25 =	simm.s32 $0x1B8E;
	[sflag:s24] =	ssyncadd.s32 $0xFFFFFFFF  }
0xa7: {  	s26 =	simm.s32 $execute0_lowered;
	[smem:$0x3FD2] =	sst s25  }
0xa8: {  	s6 =	sshll.u32 s26, $0x1;
	_ =	strace $0x80000046;
	[dreg:$0x1] =	wrdreg $0xFFFFFFFF  }
0xa9: {  	s28 =	simm.s32 $_size_execute0_lowered;
	s5 =	sadd.s32 s5, s6;
	[dreg:$0x0] =	wrdreg $0x0  }
0xaa: {  	s6 =	sshll.u32 s28, $0x1;
	[dreg:$0x2] =	wrdreg s5  }
0xab: {  	[dreg:$0x3] =	wrdreg s6  }
0xac: {  	[dreg:$0x4] =	wrdreg $0xC0  }
0xad: {  	_ =	task [dreg:s9], $0x5FFFF  }
0xae: {  	[dreg:$0x1] =	wrdreg $0xFFFFFFFF  }
0xaf: {  	[dreg:$0x0] =	wrdreg $0x60  }
0xb0: {  	[dreg:$0x2] =	wrdreg s19  }
0xb1: {  	[dreg:$0x3] =	wrdreg s2  }
0xb2: {  	[dreg:$0x4] =	wrdreg s4  }
0xb3: {  	[dreg:$0x5] =	wrdreg $0x9  }
0xb4: {  	_ =	task.clear_ibuf [dreg:s9], $0x6FFFF;
	_ =	strace $0x90000046  }
0xb5: {  	s29 =	simm.s32 $0x9;
	_ =	strace $0x80000048  }
0xb6: {  	_ =	swait.ge [sflag:s29], $0x1  }
0xb7: {  	[sflag:s29] =	ssyncadd.s32 $0xFFFFFFFF  }
0xb8: {  	_ =	strace $0x90000048  }
0xb9: {  	_ =	sfence  }
0xba: {  	s30 =	sld [smem:$0x0];
	_ =	sdelay $0x2  }
0xbb: {  	s31 =	sshll.u32 s1, $0xD;
	s1 =	sshrl.u32 s1, $0x2  }
0xbc: {  	s3 =	sand.u32 $0x4000, s31;
	s1 =	sadd.s32 s1, s30  }
0xbd: {  	s0 =	sor.u32 s3, s0;
	s1 =	sshll.u32 s1, $0x11  }
0xbe: {  	s0 =	sor.u32 s1, s0  }
0xbf: {  	s0 =	sadd.s32 $0x8F2B, s0  }
0xc0: {  	[sflag:s0] =	ssyncadd.remote.s32 $0x1  }
0xc1: {  	_ =	sfence.sel $0xFFFF  }
0xc2: {  	[dreg:$0x0] =	wrdreg $0xFFFFFFFF;
	(pc) =	sbr.abs _section_cstart, $3  }
0xc3: {  	[dreg:$0x1] =	wrdreg $0xFFFFFFFF  }
0xc4: {  	_ =	task.clear_ibuf [dreg:s9], $0x2FFFF;
	_ =	strace $0x9FFFFFFF  }
0xc5: {  	(tm) =	ssettm $0x7FFFFFFF  }
tec
execute0_lowered:
.L_overlay_start_1:
0x0: {  	(tag) =	ssettag $0x1  }
0x1: {  	v1 =	vimm.s32 $0x1380  }
0x2: {  	s0 =	rddreg [dreg:$0x0];
	vm0 =	vcmask $0x300;
	vm1 =	vcmask $0x704;
	v2 =	vimm.s32 $0x3380  }
0x3: {  	s1 =	rddreg [dreg:$0x1];
	vm2 =	vcmask $0xB08;
	vm4 =	vcmask $0xF0C;
	v1 =	vsel vm0, $0x0, v1  }
0x4: {  	s2 =	rddreg [dreg:$0x2];
	vm5 =	vcmask $0x1310;
	v2 =	vsel vm0, $0x2000, v2;
	v1 =	vsel vm1, $0x80, v1  }
0x5: {  	s3 =	srdreg.scid;
	s4 =	stileid.u32;
	s6 =	simm.s32 $0x0;
	vm6 =	vcmask $0x1714;
	v2 =	vsel vm1, $0x2080, v2;
	v1 =	vsel vm2, $0x100, v1  }
0x6: {  	v0 =	vlaneseq.u32;
	s7 =	simm.s32 $0x9;
	s8 =	simm.s32 $0x7A1400;
	s9 =	simm.s32 $0x400;
	v2 =	vsel vm2, $0x2100, v2;
	v1 =	vsel vm4, $0x180, v1  }
0x7: {  	vm7 =	vcmask $0x1B18;
	s10 =	simm.s32 $0x200;
	s12 =	simm.s32 $0x2200;
	s14 =	simm.s32 $0x4200;
	v2 =	vsel vm4, $0x2180, v2;
	v1 =	vsel vm5, $0x200, v1  }
0x8: {  	vm8 =	vcmask $0x1F1C;
	s16 =	simm.s32 $0x6200;
	s18 =	simm.s32 $0x8200;
	s20 =	simm.s32 $0xA200;
	v2 =	vsel vm5, $0x2200, v2;
	v1 =	vsel vm6, $0x280, v1  }
0x9: {  	vm9 =	vcmask $0x2320;
	s26 =	simm.s32 $0xF200;
	s28 =	simm.s32 $0x2;
	s29 =	simm.s32 $0x3;
	v2 =	vsel vm6, $0x2280, v2;
	v1 =	vsel vm7, $0x300, v1  }
0xa: {  	vm10 =	vcmask $0x2724;
	s30 =	simm.s32 $0x4;
	s31 =	simm.s32 $0x5;
	s15 =	simm.s32 $0x0;
	v2 =	vsel vm7, $0x2300, v2;
	v1 =	vsel vm8, $0x380, v1  }
0xb: {  	vm11 =	vcmask $0x2B28;
	s3 =	sand.u32 $0x1, s3;
	s4 =	sshll.u32 s4, $0xA;
	[smem:$0x7FF] =	sst s6;
	v2 =	vsel vm8, $0x2380, v2;
	v1 =	vsel vm9, $0x1000, v1  }
0xc: {  	vm12 =	vcmask $0x2F2C;
	s5 =	sshll.u32 s3, $0x9;
	s3 =	ssub.s32 $0x2, s3;
	_ =	strace $0x80000047;
	v2 =	vsel vm9, $0x3000, v2;
	v1 =	vsel vm10, $0x1080, v1  }
0xd: {  	vm13 =	vcmask $0x3330;
	[dreg:$0x4] =	wrdreg s26;
	s5 =	sor.u32 s5, s4;
	s22 =	sshrl.u32 s3, $0x1;
	v2 =	vsel vm10, $0x3080, v2;
	v1 =	vsel vm11, $0x1100, v1  }
0xe: {  	vm14 =	vcmask $0x3734;
	s26 =	simm.s32 $0x10200;
	s23 =	sshrl.u32 s5, $0x3;
	s3 =	ssub.s32 s3, s22;
	v2 =	vsel vm11, $0x3100, v2;
	v1 =	vsel vm12, $0x1180, v1  }
0xf: {  	v0 =	vmul.u32 $0x80, v0;
	s24 =	sadd.s32 s2, s5;
	s22 =	simm.s32 $0xC200;
	s2 =	simm.s32 $0x7;
	v2 =	vsel vm12, $0x3180, v2;
	v1 =	vsel vm13, $0x1200, v1  }
0x10: {  	vm15 =	vcmask $0x3B38;
	s1 =	sadd.s32 s1, s23;
	[dreg:$0x6] =	wrdreg s24;
	s25 =	smax.u32 s3, $0x1;
	v4 =	vsel vm13, $0x3200, v2;
	v3 =	vsel vm14, $0x1280, v1  }
0x11: {  	v5 =	vor.u32 $0x1800, v0;
	s24 =	simm.s32 $0xE200;
	s3 =	simm.s32 $0x8;
	[dreg:$0x5] =	wrdreg s1;
	v2 =	vsel vm15, $0x1300, v3;
	v3 =	vsel vm14, $0x3280, v4  }
0x12: {  	[dreg:$0x7] =	wrdreg s25;
	s25 =	simm.s32 $0x1;
	s1 =	simm.s32 $0x6;
	v1 =	vor.u32 $0x800, v0;
	v4 =	vor.u32 $0x1000, v0;
	v3 =	vsel vm15, $0x3300, v3  }
.LBB2_1:
0x13: {  	s4 =	simm.s32 $0x0;
	s5 =	rddreg [dreg:$0x5]  }
0x14: {  	[tilespmem:s4], [sflag:$0x9] =	stream.linear.gather [hbm4b:s5+s4], $0x200, $0x38;
	[tilespmem:$0x14200] =	vst v63  }
0x15: {  	_ =	swait.ge [sflag:s7], $0x200  }
0x16: {  	[sflag:s7] =	ssyncset.done $0x0  }
0x17: {  	s13 =	simm.s32 $0x0;
	[sflag:s7] =	ssyncadd.s32 $0xFFFFFE00  }
0x18: {  	v7 =	vld [tilespmem:s13+$0x0];
	_ =	sdelay $0x4  }
0x19: {  	(v2sf) =	vpush v7, $0x0  }
0x1a: {  	(v2sf) =	vpush v7, $0x1;
	_ =	sdelay $0x1  }
0x1b: {  	(v2sf) =	vpush v7, $0x2  }
0x1c: {  	(v2sf) =	vpush v7, $0x3  }
0x1d: {  	(v2sf) =	vpush v7, $0x4  }
0x1e: {  	(v2sf) =	vpush v7, $0x5  }
0x1f: {  	(v2sf) =	vpush v7, $0x6  }
0x20: {  	(v2sf) =	vpush v7, $0x7  }
0x21: {  	(v2sf) =	vpush v7, $0x8  }
0x22: {  	(v2sf) =	vpush v7, $0x9  }
0x23: {  	s11 =	simm.s32 $0x10;
	(v2sf) =	vpush v7, $0xA  }
0x24: {  	v6 =	vld [tilespmem:s11+$0x0];
	(v2sf) =	vpush v7, $0xB  }
0x25: {  	(v2sf) =	vpush v7, $0xC  }
0x26: {  	(v2sf) =	vpush v7, $0xD  }
0x27: {  	(v2sf) =	vpush v7, $0xE;
	s17 =	spop (v2sf)  }
0x28: {  	(v2sf) =	vpush v7, $0xF;
	[smem:s13] =	sst s17;
	s23 =	spop (v2sf)  }
0x29: {  	(v2sf) =	vpush v6, $0x0;
	[smem:$0x1] =	sst s23  }
0x2a: {  	s17 =	spop (v2sf)  }
0x2b: {  	(v2sf) =	vpush v6, $0x1;
	[smem:$0x2] =	sst s17  }
0x2c: {  	s17 =	spop (v2sf)  }
0x2d: {  	(v2sf) =	vpush v6, $0x2;
	[smem:$0x3] =	sst s17  }
0x2e: {  	s17 =	spop (v2sf)  }
0x2f: {  	(v2sf) =	vpush v6, $0x3;
	[smem:$0x4] =	sst s17  }
0x30: {  	s17 =	spop (v2sf)  }
0x31: {  	(v2sf) =	vpush v6, $0x4;
	[smem:$0x5] =	sst s17  }
0x32: {  	s17 =	spop (v2sf)  }
0x33: {  	(v2sf) =	vpush v6, $0x5;
	[smem:$0x6] =	sst s17  }
0x34: {  	s17 =	spop (v2sf)  }
0x35: {  	(v2sf) =	vpush v6, $0x6;
	[smem:$0x7] =	sst s17  }
0x36: {  	s17 =	spop (v2sf)  }
0x37: {  	(v2sf) =	vpush v6, $0x7;
	[smem:$0x8] =	sst s17  }
0x38: {  	s17 =	spop (v2sf)  }
0x39: {  	(v2sf) =	vpush v6, $0x8;
	[smem:$0x9] =	sst s17  }
0x3a: {  	s17 =	spop (v2sf)  }
0x3b: {  	(v2sf) =	vpush v6, $0x9;
	[smem:$0xA] =	sst s17  }
0x3c: {  	s17 =	spop (v2sf)  }
0x3d: {  	(v2sf) =	vpush v6, $0xA;
	[smem:$0xB] =	sst s17  }
0x3e: {  	s19 =	spop (v2sf)  }
0x3f: {  	(v2sf) =	vpush v6, $0xB;
	[smem:$0xC] =	sst s19  }
0x40: {  	s17 =	simm.s32 $0x20;
	s19 =	spop (v2sf)  }
0x41: {  	v7 =	vld [tilespmem:s17+$0x0];
	(v2sf) =	vpush v6, $0xC;
	[smem:$0xD] =	sst s19  }
0x42: {  	s19 =	spop (v2sf)  }
0x43: {  	(v2sf) =	vpush v6, $0xD;
	[smem:$0xE] =	sst s19  }
0x44: {  	s19 =	simm.s32 $0xC0;
	s21 =	spop (v2sf)  }
.LBB2_2:
0x45: {  	p0 =	sne.s32 s19, $0x7C0;
	[smem:s13+$0xF] =	sst s21;
	s21 =	smov.u32 s19  }
0x46: {  	(v2sf) =	vpush v6, $0xE;
	s19 =	sadd.s32 $0x40, s19;
	s13 =	smov.u32 s11;
	s11 =	smov.u32 s17  }
0x47: {  	s17 =	spop (v2sf);
	(v2sf) =	vpush v6, $0xF  }
0x48: {  	[smem:s13] =	sst s17;
	s17 =	spop (v2sf)  }
0x49: {  	(v2sf) =	vpush v7, $0x0;
	[smem:s13+$0x1] =	sst s17;
	s17 =	spop (v2sf);
	v6 =	vmov v7  }
0x4a: {  	(v2sf) =	vpush v6, $0x1;
	[smem:s13+$0x2] =	sst s17;
	s17 =	spop (v2sf)  }
0x4b: {  	(v2sf) =	vpush v6, $0x2;
	[smem:s13+$0x3] =	sst s17;
	s17 =	spop (v2sf)  }
0x4c: {  	(v2sf) =	vpush v6, $0x3;
	[smem:s13+$0x4] =	sst s17;
	s17 =	spop (v2sf)  }
0x4d: {  	(v2sf) =	vpush v6, $0x4;
	[smem:s13+$0x5] =	sst s17;
	s17 =	spop (v2sf)  }
0x4e: {  	(v2sf) =	vpush v6, $0x5;
	[smem:s13+$0x6] =	sst s17;
	s17 =	spop (v2sf)  }
0x4f: {  	(v2sf) =	vpush v6, $0x6;
	[smem:s13+$0x7] =	sst s17;
	s17 =	spop (v2sf)  }
0x50: {  	(v2sf) =	vpush v6, $0x7;
	[smem:s13+$0x8] =	sst s17;
	s17 =	spop (v2sf)  }
0x51: {  	(v2sf) =	vpush v6, $0x8;
	[smem:s13+$0x9] =	sst s17;
	s17 =	spop (v2sf)  }
0x52: {  	[smem:s13+$0xA] =	sst s17  }
.Ltmp0:
0x53: {  	(v2sf) =	vpush v6, $0x9;
	s17 =	spop (v2sf);
	(pc) =	sbr.rel @p0 .LBB2_2-.Ltmp0, $4  }
0x54: {  	(v2sf) =	vpush v6, $0xA;
	[smem:s13+$0xB] =	sst s17;
	s23 =	spop (v2sf)  }
0x55: {  	s17 =	sshra.s32 s21, $0x2;
	(v2sf) =	vpush v6, $0xB;
	[smem:s13+$0xC] =	sst s23;
	s21 =	spop (v2sf)  }
0x56: {  	v7 =	vld [tilespmem:s17+$0x0];
	(v2sf) =	vpush v6, $0xC;
	[smem:s13+$0xD] =	sst s21;
	s21 =	spop (v2sf)  }
0x57: {  	(v2sf) =	vpush v6, $0xD;
	[smem:s13+$0xE] =	sst s21;
	s21 =	spop (v2sf)  }
0x58: {  	_ = 	snop  }
0x59: {  	(v2sf) =	vpush v6, $0xE  }
0x5a: {  	[smem:s13+$0xF] =	sst s21;
	s23 =	spop (v2sf);
	(v2sf) =	vpush v6, $0xF  }
0x5b: {  	[smem:s11] =	sst s23;
	s4 =	spop (v2sf);
	(v2sf) =	vpush v7, $0x0  }
0x5c: {  	[smem:s11+$0x1] =	sst s4;
	s5 =	spop (v2sf);
	(v2sf) =	vpush v7, $0x1  }
0x5d: {  	[smem:s11+$0x2] =	sst s5;
	s6 =	spop (v2sf);
	(v2sf) =	vpush v7, $0x2  }
0x5e: {  	[smem:s11+$0x3] =	sst s6;
	s19 =	spop (v2sf);
	(v2sf) =	vpush v7, $0x3  }
0x5f: {  	[smem:s11+$0x4] =	sst s19;
	s21 =	spop (v2sf);
	(v2sf) =	vpush v7, $0x4  }
0x60: {  	[smem:s11+$0x5] =	sst s21;
	s23 =	spop (v2sf);
	(v2sf) =	vpush v7, $0x5  }
0x61: {  	[smem:s11+$0x6] =	sst s23;
	s4 =	spop (v2sf);
	(v2sf) =	vpush v7, $0x6  }
0x62: {  	[smem:s11+$0x7] =	sst s4;
	s5 =	spop (v2sf);
	(v2sf) =	vpush v7, $0x7  }
0x63: {  	[smem:s11+$0x8] =	sst s5;
	s6 =	spop (v2sf);
	(v2sf) =	vpush v7, $0x8  }
0x64: {  	[smem:s11+$0x9] =	sst s6;
	s19 =	spop (v2sf);
	(v2sf) =	vpush v7, $0x9  }
0x65: {  	[smem:s11+$0xA] =	sst s19;
	s21 =	spop (v2sf);
	(v2sf) =	vpush v7, $0xA  }
0x66: {  	[smem:s11+$0xB] =	sst s21;
	s23 =	spop (v2sf);
	(v2sf) =	vpush v7, $0xB  }
0x67: {  	[smem:s11+$0xC] =	sst s23;
	s4 =	spop (v2sf);
	(v2sf) =	vpush v7, $0xC  }
0x68: {  	[smem:s11+$0xD] =	sst s4;
	s5 =	spop (v2sf);
	(v2sf) =	vpush v7, $0xD  }
0x69: {  	[smem:s11+$0xE] =	sst s5;
	s6 =	spop (v2sf);
	(v2sf) =	vpush v7, $0xE  }
0x6a: {  	[smem:s11+$0xF] =	sst s6;
	s13 =	spop (v2sf);
	(v2sf) =	vpush v7, $0xF  }
0x6b: {  	[smem:s17] =	sst s13;
	s19 =	spop (v2sf)  }
0x6c: {  	[smem:s17+$0x1] =	sst s19;
	s21 =	spop (v2sf)  }
0x6d: {  	[smem:s17+$0x2] =	sst s21;
	s23 =	spop (v2sf)  }
0x6e: {  	[smem:s17+$0x3] =	sst s23;
	s4 =	spop (v2sf)  }
0x6f: {  	[smem:s17+$0x4] =	sst s4;
	s5 =	spop (v2sf)  }
0x70: {  	[smem:s17+$0x5] =	sst s5;
	s6 =	spop (v2sf)  }
0x71: {  	[smem:s17+$0x6] =	sst s6;
	s13 =	spop (v2sf)  }
0x72: {  	[smem:s17+$0x7] =	sst s13;
	s19 =	spop (v2sf)  }
0x73: {  	[smem:s17+$0x8] =	sst s19;
	s21 =	spop (v2sf)  }
0x74: {  	[smem:s17+$0x9] =	sst s21;
	s23 =	spop (v2sf)  }
0x75: {  	[smem:s17+$0xA] =	sst s23;
	s4 =	spop (v2sf)  }
0x76: {  	[smem:s17+$0xB] =	sst s4;
	s5 =	spop (v2sf)  }
0x77: {  	[smem:s17+$0xC] =	sst s5;
	s6 =	spop (v2sf)  }
0x78: {  	[smem:s17+$0xD] =	sst s6;
	s13 =	spop (v2sf)  }
0x79: {  	[smem:s17+$0xE] =	sst s13;
	s19 =	spop (v2sf)  }
0x7a: {  	[smem:s17+$0xF] =	sst s19  }
0x7b: {  	s11 =	sld [smem:$0x0]  }
0x7c: {  	s13 =	sld [smem:$0x1]  }
0x7d: {  	s23 =	sld [smem:$0x2]  }
0x7e: {  	s6 =	sld [smem:$0x3]  }
0x7f: {  	s4 =	simm.s32 $0x1200;
	s19 =	simm.s32 $0x3200  }
0x80: {  	s17 =	sld [smem:$0x4];
	s11 =	sand.u32 $0xFFFFF80, s11;
	s21 =	sand.u32 $0xFFFFF80, s13  }
0x81: {  	s5 =	sand.u32 $0xFFFFF80, s23;
	s13 =	sand.u32 $0xFFFFF80, s6;
	s11 =	sadd.s32 s0, s11  }
0x82: {  	[tilespmem:s10], [sflag:$0x1] =	stream.strided.gather [hbm4b:s11+s9], $0x1000, s8, s9, $0x38;
	[tilespmem:$0x14200] =	vst v63  }
0x83: {  	s23 =	sld [smem:$0x5];
	s6 =	simm.s32 $0x5200;
	s11 =	sadd.s32 s0, s21  }
0x84: {  	[tilespmem:s4], [sflag:$0x1] =	stream.strided.gather [hbm4b:s11+s9], $0x1000, s8, s9, $0x38;
	[tilespmem:$0x14200] =	vst v63  }
0x85: {  	s21 =	sand.u32 $0xFFFFF80, s17;
	s11 =	sadd.s32 s0, s5;
	s5 =	sld [smem:$0x6]  }
0x86: {  	[tilespmem:s12], [sflag:$0x2] =	stream.strided.gather [hbm4b:s11+s9], $0x1000, s8, s9, $0x38;
	[tilespmem:$0x14200] =	vst v63  }
0x87: {  	s17 =	sld [smem:$0x7];
	s4 =	sand.u32 $0xFFFFF80, s23;
	s11 =	sadd.s32 s0, s13  }
0x88: {  	[tilespmem:s19], [sflag:$0x2] =	stream.strided.gather [hbm4b:s11+s9], $0x1000, s8, s9, $0x38;
	[tilespmem:$0x14200] =	vst v63  }
0x89: {  	s13 =	sand.u32 $0xFFFFF80, s5;
	s11 =	sadd.s32 s0, s21;
	s21 =	sld [smem:$0x8]  }
0x8a: {  	[tilespmem:s14], [sflag:$0x3] =	stream.strided.gather [hbm4b:s11+s9], $0x1000, s8, s9, $0x38;
	[tilespmem:$0x14200] =	vst v63  }
0x8b: {  	s19 =	sand.u32 $0xFFFFF80, s17;
	s17 =	sld [smem:$0xA];
	s11 =	sadd.s32 s0, s4  }
0x8c: {  	[tilespmem:s6], [sflag:$0x3] =	stream.strided.gather [hbm4b:s11+s9], $0x1000, s8, s9, $0x38;
	[tilespmem:$0x14200] =	vst v63  }
0x8d: {  	s23 =	simm.s32 $0x7200;
	s11 =	sadd.s32 s0, s13;
	s6 =	sld [smem:$0x9]  }
0x8e: {  	[tilespmem:s16], [sflag:$0x4] =	stream.strided.gather [hbm4b:s11+s9], $0x1000, s8, s9, $0x38;
	[tilespmem:$0x14200] =	vst v63  }
0x8f: {  	s5 =	sand.u32 $0xFFFFF80, s21;
	s21 =	sand.u32 $0xFFFFF80, s17;
	s11 =	sadd.s32 s0, s19  }
0x90: {  	[tilespmem:s23], [sflag:$0x4] =	stream.strided.gather [hbm4b:s11+s9], $0x1000, s8, s9, $0x38;
	[tilespmem:$0x14200] =	vst v63  }
0x91: {  	s13 =	sand.u32 $0xFFFFF80, s6;
	s11 =	sadd.s32 s0, s5;
	s23 =	sld [smem:$0xB]  }
0x92: {  	[tilespmem:s18], [sflag:$0x5] =	stream.strided.gather [hbm4b:s11+s9], $0x1000, s8, s9, $0x38;
	[tilespmem:$0x14200] =	vst v63  }
0x93: {  	s19 =	simm.s32 $0x9200;
	s5 =	sld [smem:$0xC];
	s11 =	sadd.s32 s0, s13  }
0x94: {  	[tilespmem:s19], [sflag:$0x5] =	stream.strided.gather [hbm4b:s11+s9], $0x1000, s8, s9, $0x38;
	[tilespmem:$0x14200] =	vst v63  }
0x95: {  	s4 =	sand.u32 $0xFFFFF80, s23;
	s11 =	sadd.s32 s0, s21;
	s19 =	sld [smem:$0xD]  }
0x96: {  	[tilespmem:s20], [sflag:$0x6] =	stream.strided.gather [hbm4b:s11+s9], $0x1000, s8, s9, $0x38;
	[tilespmem:$0x14200] =	vst v63  }
0x97: {  	s6 =	simm.s32 $0xB200;
	s17 =	sand.u32 $0xFFFFF80, s5;
	s11 =	sadd.s32 s0, s4  }
0x98: {  	[tilespmem:s6], [sflag:$0x6] =	stream.strided.gather [hbm4b:s11+s9], $0x1000, s8, s9, $0x38;
	[tilespmem:$0x14200] =	vst v63  }
0x99: {  	s23 =	simm.s32 $0xD200;
	s21 =	sand.u32 $0xFFFFF80, s19;
	s11 =	sadd.s32 s0, s17  }
0x9a: {  	[tilespmem:s22], [sflag:$0x7] =	stream.strided.gather [hbm4b:s11+s9], $0x1000, s8, s9, $0x38;
	[tilespmem:$0x14200] =	vst v63  }
0x9b: {  	s19 =	simm.s32 $0xF;
	s17 =	simm.s32 $0x0;
	s11 =	sadd.s32 s0, s21  }
0x9c: {  	[tilespmem:s23], [sflag:$0x7] =	stream.strided.gather [hbm4b:s11+s9], $0x1000, s8, s9, $0x38;
	[tilespmem:$0x14200] =	vst v63  }
.LBB2_4:
0x9d: {  	s23 =	sld [smem:s19+$0xFFFFFFFF]  }
0x9e: {  	s21 =	sld [smem:s19+$0x0];
	_ =	sdelay $0x1  }
0x9f: {  	s11 =	sand.u32 $0xFFFFF80, s23  }
0xa0: {  	s13 =	sand.u32 $0xFFFFF80, s21;
	s11 =	sadd.s32 s0, s11  }
0xa1: {  	[tilespmem:s24], [sflag:$0x8] =	stream.strided.gather [hbm4b:s11+s9], $0x1000, s8, s9, $0x38;
	[tilespmem:$0x14200] =	vst v63  }
0xa2: {  	s5 =	rddreg [dreg:$0x4];
	s13 =	sadd.s32 s0, s13  }
0xa3: {  	[tilespmem:s5], [sflag:$0x8] =	stream.strided.gather [hbm4b:s13+s9], $0x1000, s8, s9, $0x38;
	[tilespmem:$0x14200] =	vst v63  }
0xa4: {  	_ =	swait.ge [sflag:s25], $0x2000  }
0xa5: {  	[sflag:s25] =	ssyncset.done $0x0  }
0xa6: {  	[sflag:s25] =	ssyncadd.s32 $0xFFFFE000  }
0xa7: {  	s6 =	sld [smem:s19+$0xFFFFFFF1];
	_ =	sdelay $0x2  }
0xa8: {  	s11 =	sand.u32 $0x7F, s6  }
0xa9: {  	v6 =	vor.u32 s11, v0  }
0xaa: {  	v7 =	vmov s17;
	v8 =	vor.u32 s11, v1  }
0xab: {  	v9 =	vshll.u32 v7, $0x3  }
0xac: {  	v7 =	vand.u32 $0x70, v7;
	v9 =	vand.u32 $0xC00, v9;
	s13 =	sld [smem:s19+$0xFFFFFFF2]  }
0xad: {  	v7 =	vor.u32 v7, v9  }
0xae: {  	v9 =	vor.u32 v2, v7;
	v6 =	vld.idx.msk [tilespmem:v6+s10+$0x0], $0xffff  }
0xaf: {  	v7 =	vor.u32 v3, v7;
	s11 =	sand.u32 $0x7F, s13;
	v8 =	vld.idx.msk [tilespmem:v8+s10+$0x0], $0xffff  }
0xb0: {  	s4 =	sadd.s32 $0x1, s17;
	v10 =	vor.u32 s11, v4  }
0xb1: {  	v11 =	vmov s4;
	v12 =	vor.u32 s11, v5  }
0xb2: {  	v13 =	vshll.u32 v11, $0x3  }
0xb3: {  	v46 =	vand.u32 $0xC00, v13;
	[tilespmem:v9+s26+$0x0] =	vst.idx.msk $0xffff, v6;
	v6 =	vand.u32 $0x71, v11  }
0xb4: {  	[tilespmem:v7+s26+$0x0] =	vst.idx.msk $0xffff, v8;
	v6 =	vor.u32 v6, v46  }
0xb5: {  	v7 =	vld.idx.msk [tilespmem:v10+s10+$0x0], $0xffff;
	v47 =	vor.u32 v2, v6  }
0xb6: {  	p0 =	seq.s32 s17, $0x1F0;
	v48 =	vld.idx.msk [tilespmem:v12+s10+$0x0], $0xffff;
	v6 =	vor.u32 v3, v6  }
0xb7: {  	s11 =	sld @!p0 [smem:s19+$0x1];
	_ =	sdelay $0x2  }
0xb8: {  	s5 =	sld @!p0 [smem:s19+$0x2];
	s6 =	simm.s32 @!p0 $0x200;
	s11 =	sand.u32 @!p0 $0xFFFFF80, s11;
	[tilespmem:v47+s26+$0x0] =	vst.idx.msk $0xffff, v7  }
0xb9: {  	s13 =	simm.s32 @!p0 $0x7A1400;
	s4 =	sadd.s32 @!p0 s0, s11;
	s11 =	simm.s32 @!p0 $0x400;
	[tilespmem:v6+s26+$0x0] =	vst.idx.msk $0xffff, v48  }
0xba: {  	[tilespmem:s6], [sflag:$0x1] =	stream.strided.gather @!p0 [hbm4b:s4+s11], $0x1000, s13, s11, $0x38;
	[tilespmem:$0x14200] =	vst v63  }
0xbb: {  	s4 =	sand.u32 @!p0 $0xFFFFF80, s5  }
0xbc: {  	s5 =	simm.s32 @!p0 $0x1200;
	s4 =	sadd.s32 @!p0 s0, s4  }
0xbd: {  	[tilespmem:s5], [sflag:$0x1] =	stream.strided.gather @!p0 [hbm4b:s4+s11], $0x1000, s13, s11, $0x38;
	[tilespmem:$0x14200] =	vst v63  }
0xbe: {  	_ =	swait.ge [sflag:s28], $0x2000  }
0xbf: {  	[sflag:s28] =	ssyncset.done $0x0  }
0xc0: {  	[sflag:s28] =	ssyncadd.s32 $0xFFFFE000  }
0xc1: {  	s5 =	sld [smem:s19+$0xFFFFFFF3];
	_ =	sdelay $0x2  }
0xc2: {  	s4 =	sand.u32 $0x7F, s5  }
0xc3: {  	s6 =	sadd.s32 $0x2, s17;
	v6 =	vor.u32 s4, v0  }
0xc4: {  	v7 =	vmov s6;
	v49 =	vor.u32 s4, v1  }
0xc5: {  	v50 =	vshll.u32 v7, $0x3  }
0xc6: {  	v7 =	vand.u32 $0x72, v7;
	v9 =	vand.u32 $0xC00, v50;
	s5 =	sld [smem:s19+$0xFFFFFFF4]  }
0xc7: {  	v7 =	vor.u32 v7, v9  }
0xc8: {  	v9 =	vor.u32 v2, v7;
	v6 =	vld.idx.msk [tilespmem:v6+s12+$0x0], $0xffff  }
0xc9: {  	v7 =	vor.u32 v3, v7;
	s4 =	sand.u32 $0x7F, s5;
	v8 =	vld.idx.msk [tilespmem:v49+s12+$0x0], $0xffff  }
0xca: {  	s6 =	sadd.s32 $0x3, s17;
	v51 =	vor.u32 s4, v4  }
0xcb: {  	v52 =	vmov s6;
	v53 =	vor.u32 s4, v5  }
0xcc: {  	v54 =	vshll.u32 v52, $0x3  }
0xcd: {  	v55 =	vand.u32 $0xC00, v54;
	[tilespmem:v9+s26+$0x0] =	vst.idx.msk $0xffff, v6;
	v6 =	vand.u32 $0x73, v52  }
0xce: {  	[tilespmem:v7+s26+$0x0] =	vst.idx.msk $0xffff, v8;
	v6 =	vor.u32 v6, v55  }
0xcf: {  	v7 =	vld.idx.msk [tilespmem:v51+s12+$0x0], $0xffff;
	v56 =	vor.u32 v2, v6  }
0xd0: {  	v57 =	vld.idx.msk [tilespmem:v53+s12+$0x0], $0xffff;
	v6 =	vor.u32 v3, v6  }
0xd1: {  	s4 =	sld @!p0 [smem:s19+$0x3];
	_ =	sdelay $0x2  }
0xd2: {  	s5 =	sld @!p0 [smem:s19+$0x4];
	s4 =	sand.u32 @!p0 $0xFFFFF80, s4;
	[tilespmem:v56+s26+$0x0] =	vst.idx.msk $0xffff, v7  }
0xd3: {  	s6 =	simm.s32 @!p0 $0x2200;
	s4 =	sadd.s32 @!p0 s0, s4;
	[tilespmem:v6+s26+$0x0] =	vst.idx.msk $0xffff, v57  }
0xd4: {  	[tilespmem:s6], [sflag:$0x2] =	stream.strided.gather @!p0 [hbm4b:s4+s11], $0x1000, s13, s11, $0x38;
	[tilespmem:$0x14200] =	vst v63  }
0xd5: {  	s4 =	sand.u32 @!p0 $0xFFFFF80, s5  }
0xd6: {  	s5 =	simm.s32 @!p0 $0x3200;
	s4 =	sadd.s32 @!p0 s0, s4  }
0xd7: {  	[tilespmem:s5], [sflag:$0x2] =	stream.strided.gather @!p0 [hbm4b:s4+s11], $0x1000, s13, s11, $0x38;
	[tilespmem:$0x14200] =	vst v63  }
0xd8: {  	_ =	swait.ge [sflag:s29], $0x2000  }
0xd9: {  	[sflag:s29] =	ssyncset.done $0x0  }
0xda: {  	[sflag:s29] =	ssyncadd.s32 $0xFFFFE000  }
0xdb: {  	s5 =	sld [smem:s19+$0xFFFFFFF5];
	_ =	sdelay $0x2  }
0xdc: {  	s4 =	sand.u32 $0x7F, s5  }
0xdd: {  	s6 =	sadd.s32 $0x4, s17;
	v6 =	vor.u32 s4, v0  }
0xde: {  	v7 =	vmov s6;
	v58 =	vor.u32 s4, v1  }
0xdf: {  	v59 =	vshll.u32 v7, $0x3  }
0xe0: {  	v7 =	vand.u32 $0x74, v7;
	v9 =	vand.u32 $0xC00, v59;
	s5 =	sld [smem:s19+$0xFFFFFFF6]  }
0xe1: {  	v7 =	vor.u32 v7, v9  }
0xe2: {  	v9 =	vor.u32 v2, v7;
	v6 =	vld.idx.msk [tilespmem:v6+s14+$0x0], $0xffff  }
0xe3: {  	v7 =	vor.u32 v3, v7;
	s4 =	sand.u32 $0x7F, s5;
	v8 =	vld.idx.msk [tilespmem:v58+s14+$0x0], $0xffff  }
0xe4: {  	s6 =	sadd.s32 $0x5, s17;
	v60 =	vor.u32 s4, v4  }
0xe5: {  	v61 =	vmov s6;
	v62 =	vor.u32 s4, v5  }
0xe6: {  	v63 =	vshll.u32 v61, $0x3  }
0xe7: {  	v16 =	vand.u32 $0xC00, v63;
	[tilespmem:v9+s26+$0x0] =	vst.idx.msk $0xffff, v6;
	v6 =	vand.u32 $0x75, v61  }
0xe8: {  	[tilespmem:v7+s26+$0x0] =	vst.idx.msk $0xffff, v8;
	v6 =	vor.u32 v6, v16  }
0xe9: {  	v7 =	vld.idx.msk [tilespmem:v60+s14+$0x0], $0xffff;
	v17 =	vor.u32 v2, v6  }
0xea: {  	v18 =	vld.idx.msk [tilespmem:v62+s14+$0x0], $0xffff;
	v6 =	vor.u32 v3, v6  }
0xeb: {  	s4 =	sld @!p0 [smem:s19+$0x5];
	_ =	sdelay $0x2  }
0xec: {  	s5 =	sld @!p0 [smem:s19+$0x6];
	s4 =	sand.u32 @!p0 $0xFFFFF80, s4;
	[tilespmem:v17+s26+$0x0] =	vst.idx.msk $0xffff, v7  }
0xed: {  	s6 =	simm.s32 @!p0 $0x4200;
	s4 =	sadd.s32 @!p0 s0, s4;
	[tilespmem:v6+s26+$0x0] =	vst.idx.msk $0xffff, v18  }
0xee: {  	[tilespmem:s6], [sflag:$0x3] =	stream.strided.gather @!p0 [hbm4b:s4+s11], $0x1000, s13, s11, $0x38;
	[tilespmem:$0x14200] =	vst v63  }
0xef: {  	s4 =	sand.u32 @!p0 $0xFFFFF80, s5  }
0xf0: {  	s5 =	simm.s32 @!p0 $0x5200;
	s4 =	sadd.s32 @!p0 s0, s4  }
0xf1: {  	[tilespmem:s5], [sflag:$0x3] =	stream.strided.gather @!p0 [hbm4b:s4+s11], $0x1000, s13, s11, $0x38;
	[tilespmem:$0x14200] =	vst v63  }
0xf2: {  	_ =	swait.ge [sflag:s30], $0x2000  }
0xf3: {  	[sflag:s30] =	ssyncset.done $0x0  }
0xf4: {  	[sflag:s30] =	ssyncadd.s32 $0xFFFFE000  }
0xf5: {  	s5 =	sld [smem:s19+$0xFFFFFFF7];
	_ =	sdelay $0x2  }
0xf6: {  	s4 =	sand.u32 $0x7F, s5  }
0xf7: {  	s6 =	sadd.s32 $0x6, s17;
	v6 =	vor.u32 s4, v0  }
0xf8: {  	v7 =	vmov s6;
	v19 =	vor.u32 s4, v1  }
0xf9: {  	v20 =	vshll.u32 v7, $0x3  }
0xfa: {  	v7 =	vand.u32 $0x76, v7;
	v9 =	vand.u32 $0xC00, v20;
	s5 =	sld [smem:s19+$0xFFFFFFF8]  }
0xfb: {  	v7 =	vor.u32 v7, v9  }
0xfc: {  	v9 =	vor.u32 v2, v7;
	v6 =	vld.idx.msk [tilespmem:v6+s16+$0x0], $0xffff  }
0xfd: {  	v7 =	vor.u32 v3, v7;
	s4 =	sand.u32 $0x7F, s5;
	v8 =	vld.idx.msk [tilespmem:v19+s16+$0x0], $0xffff  }
0xfe: {  	s6 =	sadd.s32 $0x7, s17;
	v21 =	vor.u32 s4, v4  }
0xff: {  	v22 =	vmov s6;
	v23 =	vor.u32 s4, v5  }
0x100: {  	v24 =	vshll.u32 v22, $0x3  }
0x101: {  	v25 =	vand.u32 $0xC00, v24;
	[tilespmem:v9+s26+$0x0] =	vst.idx.msk $0xffff, v6;
	v6 =	vand.u32 $0x77, v22  }
0x102: {  	[tilespmem:v7+s26+$0x0] =	vst.idx.msk $0xffff, v8;
	v6 =	vor.u32 v6, v25  }
0x103: {  	v7 =	vld.idx.msk [tilespmem:v21+s16+$0x0], $0xffff;
	v26 =	vor.u32 v2, v6  }
0x104: {  	v27 =	vld.idx.msk [tilespmem:v23+s16+$0x0], $0xffff;
	v6 =	vor.u32 v3, v6  }
0x105: {  	s4 =	sld @!p0 [smem:s19+$0x7];
	_ =	sdelay $0x2  }
0x106: {  	s5 =	sld @!p0 [smem:s19+$0x8];
	s4 =	sand.u32 @!p0 $0xFFFFF80, s4;
	[tilespmem:v26+s26+$0x0] =	vst.idx.msk $0xffff, v7  }
0x107: {  	s6 =	simm.s32 @!p0 $0x6200;
	s4 =	sadd.s32 @!p0 s0, s4;
	[tilespmem:v6+s26+$0x0] =	vst.idx.msk $0xffff, v27  }
0x108: {  	[tilespmem:s6], [sflag:$0x4] =	stream.strided.gather @!p0 [hbm4b:s4+s11], $0x1000, s13, s11, $0x38;
	[tilespmem:$0x14200] =	vst v63  }
0x109: {  	s4 =	sand.u32 @!p0 $0xFFFFF80, s5  }
0x10a: {  	s5 =	simm.s32 @!p0 $0x7200;
	s4 =	sadd.s32 @!p0 s0, s4  }
0x10b: {  	[tilespmem:s5], [sflag:$0x4] =	stream.strided.gather @!p0 [hbm4b:s4+s11], $0x1000, s13, s11, $0x38;
	[tilespmem:$0x14200] =	vst v63  }
0x10c: {  	_ =	swait.ge [sflag:s31], $0x2000  }
0x10d: {  	[sflag:s31] =	ssyncset.done $0x0  }
0x10e: {  	[sflag:s31] =	ssyncadd.s32 $0xFFFFE000  }
0x10f: {  	s5 =	sld [smem:s19+$0xFFFFFFF9];
	_ =	sdelay $0x2  }
0x110: {  	s4 =	sand.u32 $0x7F, s5  }
0x111: {  	s6 =	sadd.s32 $0x8, s17;
	v6 =	vor.u32 s4, v0  }
0x112: {  	v7 =	vmov s6;
	v28 =	vor.u32 s4, v1  }
0x113: {  	v29 =	vshll.u32 v7, $0x3  }
0x114: {  	v7 =	vand.u32 $0x78, v7;
	v9 =	vand.u32 $0xC00, v29;
	s5 =	sld [smem:s19+$0xFFFFFFFA]  }
0x115: {  	v7 =	vor.u32 v7, v9  }
0x116: {  	v9 =	vor.u32 v2, v7;
	v6 =	vld.idx.msk [tilespmem:v6+s18+$0x0], $0xffff  }
0x117: {  	v7 =	vor.u32 v3, v7;
	s4 =	sand.u32 $0x7F, s5;
	v8 =	vld.idx.msk [tilespmem:v28+s18+$0x0], $0xffff  }
0x118: {  	s6 =	sadd.s32 $0x9, s17;
	v30 =	vor.u32 s4, v4  }
0x119: {  	v31 =	vmov s6;
	v32 =	vor.u32 s4, v5  }
0x11a: {  	v33 =	vshll.u32 v31, $0x3  }
0x11b: {  	v34 =	vand.u32 $0xC00, v33;
	[tilespmem:v9+s26+$0x0] =	vst.idx.msk $0xffff, v6;
	v6 =	vand.u32 $0x79, v31  }
0x11c: {  	[tilespmem:v7+s26+$0x0] =	vst.idx.msk $0xffff, v8;
	v6 =	vor.u32 v6, v34  }
0x11d: {  	v7 =	vld.idx.msk [tilespmem:v30+s18+$0x0], $0xffff;
	v35 =	vor.u32 v2, v6  }
0x11e: {  	v36 =	vld.idx.msk [tilespmem:v32+s18+$0x0], $0xffff;
	v6 =	vor.u32 v3, v6  }
0x11f: {  	s4 =	sld @!p0 [smem:s19+$0x9];
	_ =	sdelay $0x2  }
0x120: {  	s5 =	sld @!p0 [smem:s19+$0xA];
	s4 =	sand.u32 @!p0 $0xFFFFF80, s4;
	[tilespmem:v35+s26+$0x0] =	vst.idx.msk $0xffff, v7  }
0x121: {  	s6 =	simm.s32 @!p0 $0x8200;
	s4 =	sadd.s32 @!p0 s0, s4;
	[tilespmem:v6+s26+$0x0] =	vst.idx.msk $0xffff, v36  }
0x122: {  	[tilespmem:s6], [sflag:$0x5] =	stream.strided.gather @!p0 [hbm4b:s4+s11], $0x1000, s13, s11, $0x38;
	[tilespmem:$0x14200] =	vst v63  }
0x123: {  	s4 =	sand.u32 @!p0 $0xFFFFF80, s5  }
0x124: {  	s5 =	simm.s32 @!p0 $0x9200;
	s4 =	sadd.s32 @!p0 s0, s4  }
0x125: {  	[tilespmem:s5], [sflag:$0x5] =	stream.strided.gather @!p0 [hbm4b:s4+s11], $0x1000, s13, s11, $0x38;
	[tilespmem:$0x14200] =	vst v63  }
0x126: {  	_ =	swait.ge [sflag:s1], $0x2000  }
0x127: {  	[sflag:s1] =	ssyncset.done $0x0  }
0x128: {  	[sflag:s1] =	ssyncadd.s32 $0xFFFFE000  }
0x129: {  	s5 =	sld [smem:s19+$0xFFFFFFFB];
	_ =	sdelay $0x2  }
0x12a: {  	s4 =	sand.u32 $0x7F, s5  }
0x12b: {  	s6 =	sadd.s32 $0xA, s17;
	v6 =	vor.u32 s4, v0  }
0x12c: {  	v7 =	vmov s6;
	v37 =	vor.u32 s4, v1  }
0x12d: {  	v38 =	vshll.u32 v7, $0x3  }
0x12e: {  	v7 =	vand.u32 $0x7A, v7;
	v9 =	vand.u32 $0xC00, v38;
	s5 =	sld [smem:s19+$0xFFFFFFFC]  }
0x12f: {  	v7 =	vor.u32 v7, v9  }
0x130: {  	v9 =	vor.u32 v2, v7;
	v6 =	vld.idx.msk [tilespmem:v6+s20+$0x0], $0xffff  }
0x131: {  	v7 =	vor.u32 v3, v7;
	s4 =	sand.u32 $0x7F, s5;
	v8 =	vld.idx.msk [tilespmem:v37+s20+$0x0], $0xffff  }
0x132: {  	s6 =	sadd.s32 $0xB, s17;
	v39 =	vor.u32 s4, v4  }
0x133: {  	v40 =	vmov s6;
	v41 =	vor.u32 s4, v5  }
0x134: {  	v42 =	vshll.u32 v40, $0x3  }
0x135: {  	v43 =	vand.u32 $0xC00, v42;
	[tilespmem:v9+s26+$0x0] =	vst.idx.msk $0xffff, v6;
	v6 =	vand.u32 $0x7B, v40  }
0x136: {  	[tilespmem:v7+s26+$0x0] =	vst.idx.msk $0xffff, v8;
	v6 =	vor.u32 v6, v43  }
0x137: {  	v7 =	vld.idx.msk [tilespmem:v39+s20+$0x0], $0xffff;
	v44 =	vor.u32 v2, v6  }
0x138: {  	v45 =	vld.idx.msk [tilespmem:v41+s20+$0x0], $0xffff;
	v6 =	vor.u32 v3, v6  }
0x139: {  	s4 =	sld @!p0 [smem:s19+$0xB];
	_ =	sdelay $0x2  }
0x13a: {  	s5 =	sld @!p0 [smem:s19+$0xC];
	s4 =	sand.u32 @!p0 $0xFFFFF80, s4;
	[tilespmem:v44+s26+$0x0] =	vst.idx.msk $0xffff, v7  }
0x13b: {  	s6 =	simm.s32 @!p0 $0xA200;
	s4 =	sadd.s32 @!p0 s0, s4;
	[tilespmem:v6+s26+$0x0] =	vst.idx.msk $0xffff, v45  }
0x13c: {  	[tilespmem:s6], [sflag:$0x6] =	stream.strided.gather @!p0 [hbm4b:s4+s11], $0x1000, s13, s11, $0x38;
	[tilespmem:$0x14200] =	vst v63  }
0x13d: {  	s4 =	sand.u32 @!p0 $0xFFFFF80, s5  }
0x13e: {  	s5 =	simm.s32 @!p0 $0xB200;
	s4 =	sadd.s32 @!p0 s0, s4  }
0x13f: {  	[tilespmem:s5], [sflag:$0x6] =	stream.strided.gather @!p0 [hbm4b:s4+s11], $0x1000, s13, s11, $0x38;
	[tilespmem:$0x14200] =	vst v63  }
0x140: {  	_ =	swait.ge [sflag:s2], $0x2000  }
0x141: {  	[sflag:s2] =	ssyncset.done $0x0  }
0x142: {  	[sflag:s2] =	ssyncadd.s32 $0xFFFFE000  }
0x143: {  	s5 =	sld [smem:s19+$0xFFFFFFFD];
	_ =	sdelay $0x2  }
0x144: {  	s4 =	sand.u32 $0x7F, s5  }
0x145: {  	s6 =	sadd.s32 $0xC, s17;
	v6 =	vor.u32 s4, v0  }
0x146: {  	v7 =	vmov s6;
	v46 =	vor.u32 s4, v1  }
0x147: {  	v47 =	vshll.u32 v7, $0x3  }
0x148: {  	v7 =	vand.u32 $0x7C, v7;
	v9 =	vand.u32 $0xC00, v47;
	s5 =	sld [smem:s19+$0xFFFFFFFE]  }
0x149: {  	v7 =	vor.u32 v7, v9  }
0x14a: {  	v9 =	vor.u32 v2, v7;
	v6 =	vld.idx.msk [tilespmem:v6+s22+$0x0], $0xffff  }
0x14b: {  	v7 =	vor.u32 v3, v7;
	s4 =	sand.u32 $0x7F, s5;
	v8 =	vld.idx.msk [tilespmem:v46+s22+$0x0], $0xffff  }
0x14c: {  	s6 =	sadd.s32 $0xD, s17;
	v48 =	vor.u32 s4, v4  }
0x14d: {  	v49 =	vmov s6;
	v50 =	vor.u32 s4, v5  }
0x14e: {  	v51 =	vshll.u32 v49, $0x3  }
0x14f: {  	v52 =	vand.u32 $0xC00, v51;
	[tilespmem:v9+s26+$0x0] =	vst.idx.msk $0xffff, v6;
	v6 =	vand.u32 $0x7D, v49  }
0x150: {  	[tilespmem:v7+s26+$0x0] =	vst.idx.msk $0xffff, v8;
	v6 =	vor.u32 v6, v52  }
0x151: {  	v7 =	vld.idx.msk [tilespmem:v48+s22+$0x0], $0xffff;
	v53 =	vor.u32 v2, v6  }
0x152: {  	v54 =	vld.idx.msk [tilespmem:v50+s22+$0x0], $0xffff;
	v6 =	vor.u32 v3, v6  }
0x153: {  	s4 =	sld @!p0 [smem:s19+$0xD];
	_ =	sdelay $0x2  }
0x154: {  	s5 =	sld @!p0 [smem:s19+$0xE];
	s4 =	sand.u32 @!p0 $0xFFFFF80, s4;
	[tilespmem:v53+s26+$0x0] =	vst.idx.msk $0xffff, v7  }
0x155: {  	s6 =	simm.s32 @!p0 $0xC200;
	s4 =	sadd.s32 @!p0 s0, s4;
	[tilespmem:v6+s26+$0x0] =	vst.idx.msk $0xffff, v54  }
0x156: {  	[tilespmem:s6], [sflag:$0x7] =	stream.strided.gather @!p0 [hbm4b:s4+s11], $0x1000, s13, s11, $0x38;
	[tilespmem:$0x14200] =	vst v63  }
0x157: {  	s4 =	sand.u32 @!p0 $0xFFFFF80, s5;
	s5 =	sand.u32 $0x7F, s23  }
0x158: {  	s6 =	sadd.s32 $0xE, s17;
	s23 =	simm.s32 @!p0 $0xD200;
	s4 =	sadd.s32 @!p0 s0, s4;
	v6 =	vor.u32 s5, v0  }
0x159: {  	v7 =	vmov s6;
	v55 =	vor.u32 s5, v1;
	[tilespmem:s23], [sflag:$0x7] =	stream.strided.gather @!p0 [hbm4b:s4+s11], $0x1000, s13, s11, $0x38;
	[tilespmem:$0x14200] =	vst v63  }
0x15a: {  	v56 =	vshll.u32 v7, $0x3;
	_ =	swait.ge [sflag:s3], $0x2000  }
0x15b: {  	v7 =	vand.u32 $0x7E, v7;
	v9 =	vand.u32 $0xC00, v56;
	[sflag:s3] =	ssyncset.done $0x0  }
0x15c: {  	v7 =	vor.u32 v7, v9;
	[sflag:s3] =	ssyncadd.s32 $0xFFFFE000  }
0x15d: {  	v9 =	vor.u32 v2, v7;
	v6 =	vld.idx.msk [tilespmem:v6+s24+$0x0], $0xffff  }
0x15e: {  	s21 =	sand.u32 $0x7F, s21;
	v7 =	vor.u32 v3, v7;
	v8 =	vld.idx.msk [tilespmem:v55+s24+$0x0], $0xffff  }
0x15f: {  	v57 =	vor.u32 s21, v4;
	s23 =	sadd.s32 $0xF, s17  }
0x160: {  	v59 =	vor.u32 s21, v5;
	v58 =	vmov s23  }
0x161: {  	v60 =	vshll.u32 v58, $0x3  }
0x162: {  	v61 =	vand.u32 $0xC00, v60;
	[tilespmem:v9+s26+$0x0] =	vst.idx.msk $0xffff, v6;
	v6 =	vand.u32 $0x7F, v58  }
0x163: {  	[tilespmem:v7+s26+$0x0] =	vst.idx.msk $0xffff, v8;
	v6 =	vor.u32 v6, v61  }
0x164: {  	s17 =	sadd.s32 $0x10, s17;
	v7 =	vld.idx.msk [tilespmem:v57+s24+$0x0], $0xffff;
	v62 =	vor.u32 v2, v6  }
0x165: {  	p0 =	sne.s32 s17, $0x200;
	v63 =	vld.idx.msk [tilespmem:v59+s24+$0x0], $0xffff;
	v6 =	vor.u32 v3, v6  }
.Ltmp1:
0x166: {  	_ = 	snop;
	(pc) =	sbr.rel @p0 .LBB2_4-.Ltmp1, $3  }
0x167: {  	_ =	sdelay $0x1  }
0x168: {  	[tilespmem:v62+s26+$0x0] =	vst.idx.msk $0xffff, v7  }
0x169: {  	s19 =	sadd.s32 $0x10, s19;
	[tilespmem:v6+s26+$0x0] =	vst.idx.msk $0xffff, v63  }
0x16a: {  	s4 =	rddreg [dreg:$0x6];
	s5 =	simm.s32 $0x1000;
	s6 =	simm.s32 $0x20000  }
0x16b: {  	[hbm4b:s4+s5] =	stream.strided.scatter [tilespmem:s26], [sflag:$0x9], $0x4000, s6, s5, $0x38;
	[tilespmem:$0x14200] =	vst v63  }
0x16c: {  	_ =	swait.ge [sflag:s7], $0x4000  }
0x16d: {  	s15 =	sadd.s32 $0x1, s15;
	s23 =	rddreg [dreg:$0x7]  }
0x16e: {  	p0 =	sne.s32 s15, s23  }
.Ltmp2:
0x16f: {  	_ = 	snop;
	(pc) =	sbr.rel @p0 .LBB2_1-.Ltmp2, $3  }
0x170: {  	_ =	sdelay $0x1  }
0x171: {  	[sflag:s7] =	ssyncset.done $0x0  }
0x172: {  	[sflag:s7] =	ssyncadd.s32 $0xFFFFC000  }
0x173: {  	_ =	sfence.sel $0x180000  }
0x174: {  	[bflag:$0x0] =	sbarrier.arrive $0xFFFF  }
0x175: {  	_ =	strace $0x90000047  }
0x176: {  	s0 =	stileid.u32;
	[bflag:$0x2] =	sbarrier.arrive $0xFFFF  }
0x177: {  	p0 =	sne.s32 s0, $0x0;
	s0 =	rddreg [dreg:$0x3]  }
0x178: {  	s0 =	sadd.s32 @!p0 $0x100000, s0  }
0x179: {  	[sflag:s0] =	ssyncadd.tile.s32 @!p0 $0x1;
	_ =	shalt  }
.Lfunc_end2:
_tile_overlayer_lowered:
.L_overlay_start_2:
0x17a: {  	(tag) =	ssettag $0x2  }
0x17b: {  	s0 =	rddreg [dreg:$0x0];
	s2 =	stileid.u32  }
0x17c: {  	s1 =	rddreg [dreg:$0x1];
	p0 =	sne.s32 s2, $0x0  }
0x17d: {  	s3 =	rddreg [dreg:$0x2];
	[bflag:$0x3] =	sbarrier.arrive $0xFFFF;
	s2 =	simm.s32 @!p0 $0x1C09  }
0x17e: {  	[timem:s3], [sflag:s2] =	dma.local @!p0 [hbm:s0], s1  }
0x17f: {  	s0 =	simm.s32 @!p0 $0x9  }
0x180: {  	_ =	swait.ge @!p0 [sflag:s0], s1  }
0x181: {  	s1 =	ssub.s32 @!p0 $0x0, s1;
	[sflag:s0] =	ssyncset.done @!p0 $0x0  }
0x182: {  	[sflag:s0] =	ssyncadd.s32 @!p0 s1  }
0x183: {  	[bflag:$0x3] =	sbarrier.arrive $0xFFFF  }
0x184: {  	_ =	shalt  }

</sc_bundles>
